<compile_context>
chip_gen: v7x
topology: tpu7x:2x2x1
jax: 0.10.2.dev20260603
libtpu: 0.0.44.dev20260713+nightly
codegen_flags: <defaults>
</compile_context>

<pallas_src>
import functools

import jax
import jax.numpy as jnp
from jax import lax
from jax.experimental import pallas as pl
from jax.experimental.pallas import tpu as pltpu
from jax.experimental.pallas import tpu_sc as plsc

_T = 4096
_D = 2048
_E = 64
_C = 256
_L = 16
_TB = 512
_ZROW = 2 * _T


def _routing_body(logits_ref, src_ref, w1_ref, w2_ref, probs_ref, dstx_ref):
    e = pl.program_id(0)

    @pl.when(e == 0)
    def _init():
        l = logits_ref[...]
        m = jnp.max(l, axis=1, keepdims=True)
        p = jnp.exp(l - m)
        probs = p / jnp.sum(p, axis=1, keepdims=True)
        probs_ref[...] = probs
        cols = lax.broadcasted_iota(jnp.int32, (_T, _E), 1)
        m1 = jnp.max(probs, axis=1, keepdims=True)
        i1 = jnp.min(jnp.where(probs == m1, cols, _E), axis=1, keepdims=True)
        p2 = jnp.where(cols == i1, -jnp.inf, probs)
        m2 = jnp.max(p2, axis=1, keepdims=True)
        i2 = jnp.min(jnp.where(p2 == m2, cols, _E), axis=1, keepdims=True)
        is2 = (cols == i2).astype(jnp.int32)
        mask = (cols == i1).astype(jnp.int32) + is2
        c = mask
        k = 1
        while k < _T:
            c = c + jnp.concatenate(
                [jnp.zeros((k, _E), jnp.int32), c[:-k]], axis=0)
            k *= 2
        dstx_ref[...] = c * mask + 16384 * is2
        w1_ref[...] = jnp.broadcast_to(m1, (_T, 128))
        w2_ref[...] = jnp.broadcast_to(m2, (_T, 128))

    e_cols = lax.broadcasted_iota(jnp.int32, (_T, _E), 1)
    sel = e_cols == e
    dstx_col = jnp.sum(jnp.where(sel, dstx_ref[...], 0), axis=1)
    c2 = dstx_col // 16384
    dval = dstx_col - c2 * 16384
    slot = lax.broadcasted_iota(jnp.int32, (_T, _C), 1) + 1
    eq = slot == dval[:, None]
    ids = lax.broadcasted_iota(jnp.int32, (_T, _C), 0)
    idsx = ids + _T * c2[:, None]
    src_row = jnp.sum(jnp.where(eq, idsx - _ZROW, 0), axis=0) + _ZROW
    src_ref[...] = src_row.reshape(1, 1, _C)


def _routing(logits):
    return pl.pallas_call(
        _routing_body,
        grid=(_E,),
        in_specs=[pl.BlockSpec((_T, _E), lambda e: (0, 0))],
        out_specs=[
            pl.BlockSpec((1, 1, _C), lambda e: (e, 0, 0)),
            pl.BlockSpec((_T, 128), lambda e: (0, 0)),
            pl.BlockSpec((_T, 128), lambda e: (0, 0)),
        ],
        out_shape=[
            jax.ShapeDtypeStruct((_E, 1, _C), jnp.int32),
            jax.ShapeDtypeStruct((_T, 128), jnp.float32),
            jax.ShapeDtypeStruct((_T, 128), jnp.float32),
        ],
        scratch_shapes=[
            pltpu.VMEM((_T, _E), jnp.float32),
            pltpu.VMEM((_T, _E), jnp.int32),
        ],
    )(logits)


def _tables_body(x_ref, w1_ref, w2_ref, out_ref):
    s = pl.program_id(0)
    xb = x_ref[...]
    w1c = w1_ref[...][:, 0:1]
    w2c = w2_ref[...][:, 0:1]
    wc = jnp.where(s < 8, w1c, w2c)
    wc = jnp.where(s < 16, wc, 0.0)
    out_ref[...] = (xb * wc).reshape(_TB, _D // 128, 128)


def _tables(x, w1p, w2p):
    nblk = _T // _TB
    nsteps = 2 * nblk + 1
    return pl.pallas_call(
        _tables_body,
        grid=(nsteps,),
        in_specs=[
            pl.BlockSpec((_TB, _D), lambda s: (s % 8, 0)),
            pl.BlockSpec((_TB, 128), lambda s: (s % 8, 0)),
            pl.BlockSpec((_TB, 128), lambda s: (s % 8, 0)),
        ],
        out_specs=pl.BlockSpec((_TB, _D // 128, 128), lambda s: (s, 0, 0)),
        out_shape=jax.ShapeDtypeStruct(
            (nsteps * _TB, _D // 128, 128), jnp.float32),
    )(x, w1p, w2p)


_NBUF = 6
_RCH = 8
_LEAD = 3


def _dispatch(xs, src_flat):
    info = plsc.get_sparse_core_info()
    nc, ns = info.num_cores, info.num_subcores
    nw = nc * ns
    b = _E * _C
    bpw = b // nw
    r = _RCH
    nch = bpw // r

    sl = _D // 128

    @functools.partial(
        pl.kernel,
        mesh=plsc.VectorSubcoreMesh(core_axis_name="c", subcore_axis_name="s"),
        compiler_params=pltpu.CompilerParams(use_tc_tiling_on_sc=True),
        out_type=jax.ShapeDtypeStruct((b, sl, 128), jnp.float32),
        scratch_types=(
            [pltpu.VMEM((bpw + _L,), jnp.int32)]
            + [pltpu.VMEM((r, sl, 128), jnp.float32)] * (_NBUF + 1)
            + [pltpu.SemaphoreType.DMA] * (2 * _NBUF)
        ),
    )
    def k(xs_hbm, src_hbm, out_hbm, idx_v, *bufsem):
        bufs = bufsem[:_NBUF]
        zbuf = bufsem[_NBUF]
        gsem = bufsem[_NBUF + 1:2 * _NBUF + 1]
        ssem = bufsem[2 * _NBUF + 1:]
        wid = lax.axis_index("s") * nc + lax.axis_index("c")
        base = wid * bpw
        pltpu.sync_copy(src_hbm.at[pl.ds(base, bpw)], idx_v.at[pl.ds(0, bpw)])
        pltpu.sync_copy(xs_hbm.at[pl.ds(_ZROW, r)], zbuf)

        def is_live(g):
            return idx_v[pl.ds(g * r, _L)][0] != _ZROW

        def start_gather(g, bi):
            @pl.when(is_live(g))
            def _():
                pltpu.async_copy(
                    xs_hbm.at[idx_v.at[pl.ds(g * r, r)]], bufs[bi], gsem[bi])

        def wait_dma(bi, sem):
            pltpu.make_async_copy(
                xs_hbm.at[pl.ds(0, r)], bufs[bi], sem[bi]).wait()

        def start_store(g, bi):
            live = is_live(g)

            @pl.when(live)
            def _():
                pltpu.async_copy(
                    bufs[bi], out_hbm.at[pl.ds(base + g * r, r)], ssem[bi])

            @pl.when(jnp.logical_not(live))
            def _():
                pltpu.async_copy(
                    zbuf, out_hbm.at[pl.ds(base + g * r, r)], ssem[bi])

        for g in range(_LEAD):
            start_gather(g, g)

        def step(kk, carry):
            for bi in range(_NBUF):
                g = _NBUF * kk + bi

                @pl.when(g < nch)
                def _(g=g, bi=bi):
                    @pl.when(is_live(g))
                    def _():
                        wait_dma(bi, gsem)
                    start_store(g, bi)
                    bn = (bi + _LEAD) % _NBUF

                    @pl.when(g + _LEAD < nch)
                    def _():
                        @pl.when(g >= _NBUF - _LEAD)
                        def _():
                            wait_dma(bn, ssem)
                        start_gather(g + _LEAD, bn)

            return carry

        lax.fori_loop(0, (nch + _NBUF - 1) // _NBUF, step, 0)
        for g in range(nch - _NBUF, nch):
            wait_dma(g % _NBUF, ssem)

    return k(xs, src_flat)


def kernel(x, router_logits):
    src3, w1p, w2p = _routing(router_logits)
    xs = _tables(x, w1p, w2p)
    out = _dispatch(xs, src3.reshape(_E * _C))
    return out.reshape(_E, _C, _D)

# --- scband reference (transcript-rebuilt; emitter-appended) ---
"""Pipeline reference for scband-router-base-7232724926547 (READ-ONLY COPY).

The authoritative reference and input builder live on the scoring server;
editing this copy changes nothing except your own understanding.
"""

import jax, jax.numpy as jnp
import numpy as np

T = 4096
D_MODEL = 2048
NUM_EXPERTS = 64
TOP_K = 2
CAPACITY = 256


def setup_inputs(seed: int = 0) -> dict:
    key = jax.random.key(seed)
    k1, k2 = jax.random.split(key)
    x = jax.random.normal(k1, (T, D_MODEL), dtype=jnp.float32)
    router_logits = jax.random.normal(k2, (T, NUM_EXPERTS), dtype=jnp.float32)
    return {"x": x, "router_logits": router_logits}


def _convert_index_format_dst_to_src(dst_index, mask, n_tokens, n_experts):
    # Faithful translation of RouterBase.cordinate_index_format /
    # convert_index_format(route_indices, loads, 'dst_index', 'src_index').
    # dst_index[t, e] is the 1-based slot of token t in expert e's queue (0 = not routed).
    # src_index[j, e] is the source token id occupying slot j of expert e.
    tokens = jnp.broadcast_to(jnp.arange(n_tokens, dtype=jnp.int32)[:, None], (n_tokens, n_experts))
    cols = jnp.broadcast_to(jnp.arange(n_experts, dtype=jnp.int32)[None, :], (n_tokens, n_experts))
    rows = jnp.where(mask > 0, dst_index - 1, n_tokens)  # unrouted entries scatter to dummy row
    src = jnp.zeros((n_tokens + 1, n_experts), dtype=jnp.int32).at[rows, cols].set(tokens)
    return src[:n_tokens]


def reference(x, router_logits):
    n_tokens, d = x.shape
    n_experts = router_logits.shape[1]
    probs = jax.nn.softmax(router_logits, axis=-1)
    _, topk_idx = jax.lax.top_k(probs, TOP_K)
    # one-hot routing decision mask in 'dst_index' precursor form
    mask = jnp.sum(jax.nn.one_hot(topk_idx, n_experts, dtype=jnp.int32), axis=1)  # [T, E]
    dst_index = jnp.cumsum(mask, axis=0) * mask          # 'dst_index' format (1-based)
    loads = jnp.sum(mask, axis=0)                        # [E]
    src_index = _convert_index_format_dst_to_src(dst_index, mask, n_tokens, n_experts)  # 'src_index'
    # dispatch tokens to per-expert buffers of fixed capacity
    src_c = src_index[:CAPACITY]                         # [C, E]
    valid = jnp.arange(CAPACITY, dtype=jnp.int32)[:, None] < loads[None, :]  # [C, E]
    xg = jnp.take(x, src_c, axis=0)                      # [C, E, d] gather
    w = probs[src_c, jnp.arange(n_experts, dtype=jnp.int32)[None, :]]        # [C, E] gate weights
    dispatched = jnp.where(valid[:, :, None], xg * w[:, :, None], 0.0)
    return jnp.transpose(dispatched, (1, 0, 2))          # [E, C, d]

if __name__ == "__main__":
    import jax
    _d = setup_inputs()
    print(jax.jit(kernel)(*tuple(_d.values())))

</pallas_src>

<mosaic_0001>
#map = affine_map<(d0, d1) -> (0, 0, 0)>
#map1 = affine_map<(d0, d1) -> (0)>
module attributes {stable_mosaic.version = 14 : i64} {
  func.func @k(%arg0: i32, %arg1: i32, %arg2: memref<8704x16x128xf32, #tpu.memory_space<hbm>>, %arg3: memref<16384xi32, #tpu.memory_space<hbm>>, %arg4: memref<16384x16x128xf32, #tpu.memory_space<hbm>>, %arg5: memref<528xi32, #tpu.memory_space<vmem>>, %arg6: memref<8x16x128xf32, #tpu.memory_space<vmem>>, %arg7: memref<8x16x128xf32, #tpu.memory_space<vmem>>, %arg8: memref<8x16x128xf32, #tpu.memory_space<vmem>>, %arg9: memref<8x16x128xf32, #tpu.memory_space<vmem>>, %arg10: memref<8x16x128xf32, #tpu.memory_space<vmem>>, %arg11: memref<8x16x128xf32, #tpu.memory_space<vmem>>, %arg12: memref<8x16x128xf32, #tpu.memory_space<vmem>>, %arg13: memref<!tpu.dma_semaphore, #tpu.memory_space<semaphore_mem>>, %arg14: memref<!tpu.dma_semaphore, #tpu.memory_space<semaphore_mem>>, %arg15: memref<!tpu.dma_semaphore, #tpu.memory_space<semaphore_mem>>, %arg16: memref<!tpu.dma_semaphore, #tpu.memory_space<semaphore_mem>>, %arg17: memref<!tpu.dma_semaphore, #tpu.memory_space<semaphore_mem>>, %arg18: memref<!tpu.dma_semaphore, #tpu.memory_space<semaphore_mem>>, %arg19: memref<!tpu.dma_semaphore, #tpu.memory_space<semaphore_mem>>, %arg20: memref<!tpu.dma_semaphore, #tpu.memory_space<semaphore_mem>>, %arg21: memref<!tpu.dma_semaphore, #tpu.memory_space<semaphore_mem>>, %arg22: memref<!tpu.dma_semaphore, #tpu.memory_space<semaphore_mem>>, %arg23: memref<!tpu.dma_semaphore, #tpu.memory_space<semaphore_mem>>, %arg24: memref<!tpu.dma_semaphore, #tpu.memory_space<semaphore_mem>>) attributes {dimension_semantics = [#tpu.dimension_semantics<core_parallel>, #tpu.dimension_semantics<subcore_parallel>], iteration_bounds = array<i64: 2, 16>, scalar_prefetch = 0 : i64, scratch_operands = 20 : i64, tpu.core_type = #tpu.core_type<sc_vector_subcore>, window_params = [{transform_indices = #map}, {transform_indices = #map1}, {transform_indices = #map}]} {
    %mul3A = arith.constant 2 : i32
    %mul3A_0 = arith.muli %arg1, %mul3A : i32
    %add3A = arith.addi %mul3A_0, %arg0 : i32
    %mul3A_1 = arith.constant 512 : i32
    %mul3A_2 = arith.muli %add3A, %mul3A_1 : i32
    "tpu.region"() ({
      %run_scoped3A = tpu.sem_alloc : memref<!tpu.dma_semaphore, #tpu.memory_space<semaphore_mem>>
      %dma_start3A = arith.constant 0 : i32
      %dma_start3A_79 = tpu.memref_slice %arg5[%dma_start3A] : memref<528xi32, #tpu.memory_space<vmem>> -> memref<512xi32, #tpu.memory_space<vmem>>
      %dma_start3A_80 = tpu.memref_slice %arg3[%mul3A_2] : memref<16384xi32, #tpu.memory_space<hbm>> -> memref<512xi32, #tpu.memory_space<hbm>>
      %dma_start3A_81 = arith.constant 0 : i32
      %dma_start3A_82 = tpu.memref_slice %arg5[%dma_start3A_81] : memref<528xi32, #tpu.memory_space<vmem>> -> memref<512xi32, #tpu.memory_space<vmem>>
      %dma_start3A_83 = tpu.memref_slice %arg3[%mul3A_2] : memref<16384xi32, #tpu.memory_space<hbm>> -> memref<512xi32, #tpu.memory_space<hbm>>
      tpu.enqueue_dma source(%dma_start3A_83 : memref<512xi32, #tpu.memory_space<hbm>>) target(%dma_start3A_82 : memref<512xi32, #tpu.memory_space<vmem>>) target_semaphore(%run_scoped3A : memref<!tpu.dma_semaphore, #tpu.memory_space<semaphore_mem>>)
      %dma_wait3A_84 = arith.constant 0 : i32
      %dma_wait3A_85 = tpu.memref_slice %arg5[%dma_wait3A_84] : memref<528xi32, #tpu.memory_space<vmem>> -> memref<512xi32, #tpu.memory_space<vmem>>
      %dma_wait3A_86 = tpu.memref_slice %arg3[%mul3A_2] : memref<16384xi32, #tpu.memory_space<hbm>> -> memref<512xi32, #tpu.memory_space<hbm>>
      %dma_wait3A_87 = arith.constant 0 : i32
      %dma_wait3A_88 = tpu.memref_slice %arg5[%dma_wait3A_87] : memref<528xi32, #tpu.memory_space<vmem>> -> memref<512xi32, #tpu.memory_space<vmem>>
      %dma_wait3A_89 = tpu.memref_slice %arg3[%mul3A_2] : memref<16384xi32, #tpu.memory_space<hbm>> -> memref<512xi32, #tpu.memory_space<hbm>>
      tpu.wait_dma2 semaphore(%run_scoped3A : memref<!tpu.dma_semaphore, #tpu.memory_space<semaphore_mem>>) src(%dma_wait3A_89 : memref<512xi32, #tpu.memory_space<hbm>>) dst(%dma_wait3A_88 : memref<512xi32, #tpu.memory_space<vmem>>)
      tpu.yield
    }) : () -> ()
    "tpu.region"() ({
      %run_scoped3A = tpu.sem_alloc : memref<!tpu.dma_semaphore, #tpu.memory_space<semaphore_mem>>
      %dma_start3A = arith.constant 8192 : i32
      %dma_start3A_79 = arith.constant 0 : i32
      %dma_start3A_80 = arith.constant 0 : i32
      %dma_start3A_81 = tpu.memref_slice %arg2[%dma_start3A, %dma_start3A_79, %dma_start3A_80] : memref<8704x16x128xf32, #tpu.memory_space<hbm>> -> memref<8x16x128xf32, #tpu.memory_space<hbm>>
      %dma_start3A_82 = arith.constant 8192 : i32
      %dma_start3A_83 = arith.constant 0 : i32
      %dma_start3A_84 = arith.constant 0 : i32
      %dma_start3A_85 = tpu.memref_slice %arg2[%dma_start3A_82, %dma_start3A_83, %dma_start3A_84] : memref<8704x16x128xf32, #tpu.memory_space<hbm>> -> memref<8x16x128xf32, #tpu.memory_space<hbm>>
      tpu.enqueue_dma source(%dma_start3A_85 : memref<8x16x128xf32, #tpu.memory_space<hbm>>) target(%arg12 : memref<8x16x128xf32, #tpu.memory_space<vmem>>) target_semaphore(%run_scoped3A : memref<!tpu.dma_semaphore, #tpu.memory_space<semaphore_mem>>)
      %dma_wait3A_86 = arith.constant 8192 : i32
      %dma_wait3A_87 = arith.constant 0 : i32
      %dma_wait3A_88 = arith.constant 0 : i32
      %dma_wait3A_89 = tpu.memref_slice %arg2[%dma_wait3A_86, %dma_wait3A_87, %dma_wait3A_88] : memref<8704x16x128xf32, #tpu.memory_space<hbm>> -> memref<8x16x128xf32, #tpu.memory_space<hbm>>
      %dma_wait3A_90 = arith.constant 8192 : i32
      %dma_wait3A_91 = arith.constant 0 : i32
      %dma_wait3A_92 = arith.constant 0 : i32
      %dma_wait3A_93 = tpu.memref_slice %arg2[%dma_wait3A_90, %dma_wait3A_91, %dma_wait3A_92] : memref<8704x16x128xf32, #tpu.memory_space<hbm>> -> memref<8x16x128xf32, #tpu.memory_space<hbm>>
      tpu.wait_dma2 semaphore(%run_scoped3A : memref<!tpu.dma_semaphore, #tpu.memory_space<semaphore_mem>>) src(%dma_wait3A_93 : memref<8x16x128xf32, #tpu.memory_space<hbm>>) dst(%arg12 : memref<8x16x128xf32, #tpu.memory_space<vmem>>)
      tpu.yield
    }) : () -> ()
    %get3A = arith.constant 0 : index
    %get3A_3 = tpu.vector_load %arg5[%get3A] {strides = array<i32>} : memref<528xi32, #tpu.memory_space<vmem>>, vector<16xi32>,
    %get3A_4 = vector.shape_cast %get3A_3 : vector<16xi32> to vector<16xi32>
    %slice3A = vector.extract_strided_slice %get3A_4 {offsets = [0], sizes = [1], strides = [1]} : vector<16xi32> to vector<1xi32>
    %squeeze3A = vector.extract %slice3A[0] : i32 from vector<1xi32>
    %ne3A = arith.constant 8192 : i32
    %ne3A_5 = arith.cmpi ne, %squeeze3A, %ne3A : i32
    %convert_element_type3A = arith.extui %ne3A_5 : i1 to i32
    %cond3A = arith.constant 0 : i32
    %cond3A_6 = arith.cmpi ne, %convert_element_type3A, %cond3A : i32
    scf.if %cond3A_6 {
      %dma_start3A = arith.constant 0 : i32
      %dma_start3A_79 = tpu.memref_slice %arg5[%dma_start3A] : memref<528xi32, #tpu.memory_space<vmem>> -> memref<8xi32, #tpu.memory_space<vmem>>
      %dma_start3A_80 = arith.constant 0 : i32
      %dma_start3A_81 = arith.constant 0 : i32
      %dma_start3A_82 = arith.constant 0 : i32
      %dma_start3A_83 = tpu.memref_slice %arg2[%dma_start3A_80, %dma_start3A_81, %dma_start3A_82] : memref<8704x16x128xf32, #tpu.memory_space<hbm>> -> memref<8704x16x128xf32, #tpu.memory_space<hbm>>
      tpu.enqueue_indirect_dma source(%dma_start3A_83 : memref<8704x16x128xf32, #tpu.memory_space<hbm>>) target(%arg6 : memref<8x16x128xf32, #tpu.memory_space<vmem>>) offsets(%dma_start3A_79 : memref<8xi32, #tpu.memory_space<vmem>>) semaphore(%arg13 : memref<!tpu.dma_semaphore, #tpu.memory_space<semaphore_mem>>)
    } else {
    }
    %get3A_7 = arith.constant 8 : index
    %get3A_8 = tpu.vector_load %arg5[%get3A_7] {strides = array<i32>} : memref<528xi32, #tpu.memory_space<vmem>>, vector<16xi32>,
    %get3A_9 = vector.shape_cast %get3A_8 : vector<16xi32> to vector<16xi32>
    %slice3A_10 = vector.extract_strided_slice %get3A_9 {offsets = [0], sizes = [1], strides = [1]} : vector<16xi32> to vector<1xi32>
    %squeeze3A_11 = vector.extract %slice3A_10[0] : i32 from vector<1xi32>
    %ne3A_12 = arith.constant 8192 : i32
    %ne3A_13 = arith.cmpi ne, %squeeze3A_11, %ne3A_12 : i32
    %convert_element_type3A_14 = arith.extui %ne3A_13 : i1 to i32
    %cond3A_15 = arith.constant 0 : i32
    %cond3A_16 = arith.cmpi ne, %convert_element_type3A_14, %cond3A_15 : i32
    scf.if %cond3A_16 {
      %dma_start3A = arith.constant 8 : i32
      %dma_start3A_79 = tpu.memref_slice %arg5[%dma_start3A] : memref<528xi32, #tpu.memory_space<vmem>> -> memref<8xi32, #tpu.memory_space<vmem>>
      %dma_start3A_80 = arith.constant 0 : i32
      %dma_start3A_81 = arith.constant 0 : i32
      %dma_start3A_82 = arith.constant 0 : i32
      %dma_start3A_83 = tpu.memref_slice %arg2[%dma_start3A_80, %dma_start3A_81, %dma_start3A_82] : memref<8704x16x128xf32, #tpu.memory_space<hbm>> -> memref<8704x16x128xf32, #tpu.memory_space<hbm>>
      tpu.enqueue_indirect_dma source(%dma_start3A_83 : memref<8704x16x128xf32, #tpu.memory_space<hbm>>) target(%arg7 : memref<8x16x128xf32, #tpu.memory_space<vmem>>) offsets(%dma_start3A_79 : memref<8xi32, #tpu.memory_space<vmem>>) semaphore(%arg14 : memref<!tpu.dma_semaphore, #tpu.memory_space<semaphore_mem>>)
    } else {
    }
    %get3A_17 = arith.constant 16 : index
    %get3A_18 = tpu.vector_load %arg5[%get3A_17] {strides = array<i32>} : memref<528xi32, #tpu.memory_space<vmem>>, vector<16xi32>,
    %get3A_19 = vector.shape_cast %get3A_18 : vector<16xi32> to vector<16xi32>
    %slice3A_20 = vector.extract_strided_slice %get3A_19 {offsets = [0], sizes = [1], strides = [1]} : vector<16xi32> to vector<1xi32>
    %squeeze3A_21 = vector.extract %slice3A_20[0] : i32 from vector<1xi32>
    %ne3A_22 = arith.constant 8192 : i32
    %ne3A_23 = arith.cmpi ne, %squeeze3A_21, %ne3A_22 : i32
    %convert_element_type3A_24 = arith.extui %ne3A_23 : i1 to i32
    %cond3A_25 = arith.constant 0 : i32
    %cond3A_26 = arith.cmpi ne, %convert_element_type3A_24, %cond3A_25 : i32
    scf.if %cond3A_26 {
      %dma_start3A = arith.constant 16 : i32
      %dma_start3A_79 = tpu.memref_slice %arg5[%dma_start3A] : memref<528xi32, #tpu.memory_space<vmem>> -> memref<8xi32, #tpu.memory_space<vmem>>
      %dma_start3A_80 = arith.constant 0 : i32
      %dma_start3A_81 = arith.constant 0 : i32
      %dma_start3A_82 = arith.constant 0 : i32
      %dma_start3A_83 = tpu.memref_slice %arg2[%dma_start3A_80, %dma_start3A_81, %dma_start3A_82] : memref<8704x16x128xf32, #tpu.memory_space<hbm>> -> memref<8704x16x128xf32, #tpu.memory_space<hbm>>
      tpu.enqueue_indirect_dma source(%dma_start3A_83 : memref<8704x16x128xf32, #tpu.memory_space<hbm>>) target(%arg8 : memref<8x16x128xf32, #tpu.memory_space<vmem>>) offsets(%dma_start3A_79 : memref<8xi32, #tpu.memory_space<vmem>>) semaphore(%arg15 : memref<!tpu.dma_semaphore, #tpu.memory_space<semaphore_mem>>)
    } else {
    }
    %scan3A = arith.constant 0 : i32
    %scan3A_27 = arith.constant 0 : i32
    %scan3A_28 = arith.constant 11 : i32
    %scan3A_29 = arith.addi %scan3A_27, %scan3A_28 : i32
    %scan3A_30 = arith.constant 1 : i32
    scf.for %scan3A_79 = %scan3A_27 to %scan3A_29 step %scan3A_30  : i32 {
      %mul3A_80 = arith.constant 6 : i32
      %mul3A_81 = arith.muli %mul3A_80, %scan3A_79 : i32
      %add3A_82 = arith.constant 0 : i32
      %add3A_83 = arith.addi %mul3A_81, %add3A_82 : i32
      %lt3A = arith.constant 64 : i32
      %lt3A_84 = arith.cmpi slt, %add3A_83, %lt3A : i32
      %convert_element_type3A_85 = arith.extui %lt3A_84 : i1 to i32
      %cond3A_86 = arith.constant 0 : i32
      %cond3A_87 = arith.cmpi ne, %convert_element_type3A_85, %cond3A_86 : i32
      scf.if %cond3A_87 {
        %mul3A_133 = arith.constant 8 : i32
        %mul3A_134 = arith.muli %add3A_83, %mul3A_133 : i32
        %get3A_135 = arith.index_cast %mul3A_134 : i32 to index
        %get3A_136 = tpu.vector_load %arg5[%get3A_135] {strides = array<i32>} : memref<528xi32, #tpu.memory_space<vmem>>, vector<16xi32>,
        %get3A_137 = vector.shape_cast %get3A_136 : vector<16xi32> to vector<16xi32>
        %slice3A_138 = vector.extract_strided_slice %get3A_137 {offsets = [0], sizes = [1], strides = [1]} : vector<16xi32> to vector<1xi32>
        %squeeze3A_139 = vector.extract %slice3A_138[0] : i32 from vector<1xi32>
        %ne3A_140 = arith.constant 8192 : i32
        %ne3A_141 = arith.cmpi ne, %squeeze3A_139, %ne3A_140 : i32
        %convert_element_type3A_142 = arith.extui %ne3A_141 : i1 to i32
        %cond3A_143 = arith.constant 0 : i32
        %cond3A_144 = arith.cmpi ne, %convert_element_type3A_142, %cond3A_143 : i32
        scf.if %cond3A_144 {
          %dma_wait3A_168 = arith.constant 0 : i32
          %dma_wait3A_169 = arith.constant 0 : i32
          %dma_wait3A_170 = arith.constant 0 : i32
          %dma_wait3A_171 = tpu.memref_slice %arg2[%dma_wait3A_168, %dma_wait3A_169, %dma_wait3A_170] : memref<8704x16x128xf32, #tpu.memory_space<hbm>> -> memref<8x16x128xf32, #tpu.memory_space<hbm>>
          %dma_wait3A_172 = arith.constant 0 : i32
          %dma_wait3A_173 = arith.constant 0 : i32
          %dma_wait3A_174 = arith.constant 0 : i32
          %dma_wait3A_175 = tpu.memref_slice %arg2[%dma_wait3A_172, %dma_wait3A_173, %dma_wait3A_174] : memref<8704x16x128xf32, #tpu.memory_space<hbm>> -> memref<8x16x128xf32, #tpu.memory_space<hbm>>
          tpu.wait_dma2 semaphore(%arg13 : memref<!tpu.dma_semaphore, #tpu.memory_space<semaphore_mem>>) src(%dma_wait3A_175 : memref<8x16x128xf32, #tpu.memory_space<hbm>>) dst(%arg6 : memref<8x16x128xf32, #tpu.memory_space<vmem>>)
        } else {
        }
        %mul3A_145 = arith.constant 8 : i32
        %mul3A_146 = arith.muli %add3A_83, %mul3A_145 : i32
        %get3A_147 = arith.index_cast %mul3A_146 : i32 to index
        %get3A_148 = tpu.vector_load %arg5[%get3A_147] {strides = array<i32>} : memref<528xi32, #tpu.memory_space<vmem>>, vector<16xi32>,
        %get3A_149 = vector.shape_cast %get3A_148 : vector<16xi32> to vector<16xi32>
        %slice3A_150 = vector.extract_strided_slice %get3A_149 {offsets = [0], sizes = [1], strides = [1]} : vector<16xi32> to vector<1xi32>
        %squeeze3A_151 = vector.extract %slice3A_150[0] : i32 from vector<1xi32>
        %ne3A_152 = arith.constant 8192 : i32
        %ne3A_153 = arith.cmpi ne, %squeeze3A_151, %ne3A_152 : i32
        %convert_element_type3A_154 = arith.extui %ne3A_153 : i1 to i32
        %cond3A_155 = arith.constant 0 : i32
        %cond3A_156 = arith.cmpi ne, %convert_element_type3A_154, %cond3A_155 : i32
        scf.if %cond3A_156 {
          %mul3A_168 = arith.constant 8 : i32
          %mul3A_169 = arith.muli %add3A_83, %mul3A_168 : i32
          %add3A_170 = arith.addi %mul3A_2, %mul3A_169 : i32
          %dma_start3A = arith.constant 0 : i32
          %dma_start3A_171 = arith.constant 0 : i32
          %dma_start3A_172 = tpu.memref_slice %arg4[%add3A_170, %dma_start3A, %dma_start3A_171] : memref<16384x16x128xf32, #tpu.memory_space<hbm>> -> memref<8x16x128xf32, #tpu.memory_space<hbm>>
          %dma_start3A_173 = arith.constant 0 : i32
          %dma_start3A_174 = arith.constant 0 : i32
          %dma_start3A_175 = tpu.memref_slice %arg4[%add3A_170, %dma_start3A_173, %dma_start3A_174] : memref<16384x16x128xf32, #tpu.memory_space<hbm>> -> memref<8x16x128xf32, #tpu.memory_space<hbm>>
          tpu.enqueue_dma source(%arg6 : memref<8x16x128xf32, #tpu.memory_space<vmem>>) target(%dma_start3A_175 : memref<8x16x128xf32, #tpu.memory_space<hbm>>) target_semaphore(%arg19 : memref<!tpu.dma_semaphore, #tpu.memory_space<semaphore_mem>>)
        } else {
        }
        %not3A = arith.constant true
        %not3A_157 = arith.xori %ne3A_153, %not3A : i1
        %convert_element_type3A_158 = arith.extui %not3A_157 : i1 to i32
        %cond3A_159 = arith.constant 0 : i32
        %cond3A_160 = arith.cmpi ne, %convert_element_type3A_158, %cond3A_159 : i32
        scf.if %cond3A_160 {
          %mul3A_168 = arith.constant 8 : i32
          %mul3A_169 = arith.muli %add3A_83, %mul3A_168 : i32
          %add3A_170 = arith.addi %mul3A_2, %mul3A_169 : i32
          %dma_start3A = arith.constant 0 : i32
          %dma_start3A_171 = arith.constant 0 : i32
          %dma_start3A_172 = tpu.memref_slice %arg4[%add3A_170, %dma_start3A, %dma_start3A_171] : memref<16384x16x128xf32, #tpu.memory_space<hbm>> -> memref<8x16x128xf32, #tpu.memory_space<hbm>>
          %dma_start3A_173 = arith.constant 0 : i32
          %dma_start3A_174 = arith.constant 0 : i32
          %dma_start3A_175 = tpu.memref_slice %arg4[%add3A_170, %dma_start3A_173, %dma_start3A_174] : memref<16384x16x128xf32, #tpu.memory_space<hbm>> -> memref<8x16x128xf32, #tpu.memory_space<hbm>>
          tpu.enqueue_dma source(%arg12 : memref<8x16x128xf32, #tpu.memory_space<vmem>>) target(%dma_start3A_175 : memref<8x16x128xf32, #tpu.memory_space<hbm>>) target_semaphore(%arg19 : memref<!tpu.dma_semaphore, #tpu.memory_space<semaphore_mem>>)
        } else {
        }
        %add3A_161 = arith.constant 3 : i32
        %add3A_162 = arith.addi %add3A_83, %add3A_161 : i32
        %lt3A_163 = arith.constant 64 : i32
        %lt3A_164 = arith.cmpi slt, %add3A_162, %lt3A_163 : i32
        %convert_element_type3A_165 = arith.extui %lt3A_164 : i1 to i32
        %cond3A_166 = arith.constant 0 : i32
        %cond3A_167 = arith.cmpi ne, %convert_element_type3A_165, %cond3A_166 : i32
        scf.if %cond3A_167 {
          %ge3A = arith.constant 3 : i32
          %ge3A_168 = arith.cmpi sge, %add3A_83, %ge3A : i32
          %convert_element_type3A_169 = arith.extui %ge3A_168 : i1 to i32
          %cond3A_170 = arith.constant 0 : i32
          %cond3A_171 = arith.cmpi ne, %convert_element_type3A_169, %cond3A_170 : i32
          scf.if %cond3A_171 {
            %dma_wait3A_186 = arith.constant 0 : i32
            %dma_wait3A_187 = arith.constant 0 : i32
            %dma_wait3A_188 = arith.constant 0 : i32
            %dma_wait3A_189 = tpu.memref_slice %arg2[%dma_wait3A_186, %dma_wait3A_187, %dma_wait3A_188] : memref<8704x16x128xf32, #tpu.memory_space<hbm>> -> memref<8x16x128xf32, #tpu.memory_space<hbm>>
            %dma_wait3A_190 = arith.constant 0 : i32
            %dma_wait3A_191 = arith.constant 0 : i32
            %dma_wait3A_192 = arith.constant 0 : i32
            %dma_wait3A_193 = tpu.memref_slice %arg2[%dma_wait3A_190, %dma_wait3A_191, %dma_wait3A_192] : memref<8704x16x128xf32, #tpu.memory_space<hbm>> -> memref<8x16x128xf32, #tpu.memory_space<hbm>>
            tpu.wait_dma2 semaphore(%arg22 : memref<!tpu.dma_semaphore, #tpu.memory_space<semaphore_mem>>) src(%dma_wait3A_193 : memref<8x16x128xf32, #tpu.memory_space<hbm>>) dst(%arg9 : memref<8x16x128xf32, #tpu.memory_space<vmem>>)
          } else {
          }
          %add3A_172 = arith.constant 3 : i32
          %add3A_173 = arith.addi %add3A_83, %add3A_172 : i32
          %mul3A_174 = arith.constant 8 : i32
          %mul3A_175 = arith.muli %add3A_173, %mul3A_174 : i32
          %get3A_176 = arith.index_cast %mul3A_175 : i32 to index
          %get3A_177 = tpu.vector_load %arg5[%get3A_176] {strides = array<i32>} : memref<528xi32, #tpu.memory_space<vmem>>, vector<16xi32>,
          %get3A_178 = vector.shape_cast %get3A_177 : vector<16xi32> to vector<16xi32>
          %slice3A_179 = vector.extract_strided_slice %get3A_178 {offsets = [0], sizes = [1], strides = [1]} : vector<16xi32> to vector<1xi32>
          %squeeze3A_180 = vector.extract %slice3A_179[0] : i32 from vector<1xi32>
          %ne3A_181 = arith.constant 8192 : i32
          %ne3A_182 = arith.cmpi ne, %squeeze3A_180, %ne3A_181 : i32
          %convert_element_type3A_183 = arith.extui %ne3A_182 : i1 to i32
          %cond3A_184 = arith.constant 0 : i32
          %cond3A_185 = arith.cmpi ne, %convert_element_type3A_183, %cond3A_184 : i32
          scf.if %cond3A_185 {
            %mul3A_186 = arith.constant 8 : i32
            %mul3A_187 = arith.muli %add3A_173, %mul3A_186 : i32
            %dma_start3A = tpu.memref_slice %arg5[%mul3A_187] : memref<528xi32, #tpu.memory_space<vmem>> -> memref<8xi32, #tpu.memory_space<vmem>>
            %dma_start3A_188 = arith.constant 0 : i32
            %dma_start3A_189 = arith.constant 0 : i32
            %dma_start3A_190 = arith.constant 0 : i32
            %dma_start3A_191 = tpu.memref_slice %arg2[%dma_start3A_188, %dma_start3A_189, %dma_start3A_190] : memref<8704x16x128xf32, #tpu.memory_space<hbm>> -> memref<8704x16x128xf32, #tpu.memory_space<hbm>>
            tpu.enqueue_indirect_dma source(%dma_start3A_191 : memref<8704x16x128xf32, #tpu.memory_space<hbm>>) target(%arg9 : memref<8x16x128xf32, #tpu.memory_space<vmem>>) offsets(%dma_start3A : memref<8xi32, #tpu.memory_space<vmem>>) semaphore(%arg16 : memref<!tpu.dma_semaphore, #tpu.memory_space<semaphore_mem>>)
          } else {
          }
        } else {
        }
      } else {
      }
      %mul3A_88 = arith.constant 6 : i32
      %mul3A_89 = arith.muli %mul3A_88, %scan3A_79 : i32
      %add3A_90 = arith.constant 1 : i32
      %add3A_91 = arith.addi %mul3A_89, %add3A_90 : i32
      %lt3A_92 = arith.constant 64 : i32
      %lt3A_93 = arith.cmpi slt, %add3A_91, %lt3A_92 : i32
      %convert_element_type3A_94 = arith.extui %lt3A_93 : i1 to i32
      %cond3A_95 = arith.constant 0 : i32
      %cond3A_96 = arith.cmpi ne, %convert_element_type3A_94, %cond3A_95 : i32
      scf.if %cond3A_96 {
        %mul3A_133 = arith.constant 8 : i32
        %mul3A_134 = arith.muli %add3A_91, %mul3A_133 : i32
        %get3A_135 = arith.index_cast %mul3A_134 : i32 to index
        %get3A_136 = tpu.vector_load %arg5[%get3A_135] {strides = array<i32>} : memref<528xi32, #tpu.memory_space<vmem>>, vector<16xi32>,
        %get3A_137 = vector.shape_cast %get3A_136 : vector<16xi32> to vector<16xi32>
        %slice3A_138 = vector.extract_strided_slice %get3A_137 {offsets = [0], sizes = [1], strides = [1]} : vector<16xi32> to vector<1xi32>
        %squeeze3A_139 = vector.extract %slice3A_138[0] : i32 from vector<1xi32>
        %ne3A_140 = arith.constant 8192 : i32
        %ne3A_141 = arith.cmpi ne, %squeeze3A_139, %ne3A_140 : i32
        %convert_element_type3A_142 = arith.extui %ne3A_141 : i1 to i32
        %cond3A_143 = arith.constant 0 : i32
        %cond3A_144 = arith.cmpi ne, %convert_element_type3A_142, %cond3A_143 : i32
        scf.if %cond3A_144 {
          %dma_wait3A_168 = arith.constant 0 : i32
          %dma_wait3A_169 = arith.constant 0 : i32
          %dma_wait3A_170 = arith.constant 0 : i32
          %dma_wait3A_171 = tpu.memref_slice %arg2[%dma_wait3A_168, %dma_wait3A_169, %dma_wait3A_170] : memref<8704x16x128xf32, #tpu.memory_space<hbm>> -> memref<8x16x128xf32, #tpu.memory_space<hbm>>
          %dma_wait3A_172 = arith.constant 0 : i32
          %dma_wait3A_173 = arith.constant 0 : i32
          %dma_wait3A_174 = arith.constant 0 : i32
          %dma_wait3A_175 = tpu.memref_slice %arg2[%dma_wait3A_172, %dma_wait3A_173, %dma_wait3A_174] : memref<8704x16x128xf32, #tpu.memory_space<hbm>> -> memref<8x16x128xf32, #tpu.memory_space<hbm>>
          tpu.wait_dma2 semaphore(%arg14 : memref<!tpu.dma_semaphore, #tpu.memory_space<semaphore_mem>>) src(%dma_wait3A_175 : memref<8x16x128xf32, #tpu.memory_space<hbm>>) dst(%arg7 : memref<8x16x128xf32, #tpu.memory_space<vmem>>)
        } else {
        }
        %mul3A_145 = arith.constant 8 : i32
        %mul3A_146 = arith.muli %add3A_91, %mul3A_145 : i32
        %get3A_147 = arith.index_cast %mul3A_146 : i32 to index
        %get3A_148 = tpu.vector_load %arg5[%get3A_147] {strides = array<i32>} : memref<528xi32, #tpu.memory_space<vmem>>, vector<16xi32>,
        %get3A_149 = vector.shape_cast %get3A_148 : vector<16xi32> to vector<16xi32>
        %slice3A_150 = vector.extract_strided_slice %get3A_149 {offsets = [0], sizes = [1], strides = [1]} : vector<16xi32> to vector<1xi32>
        %squeeze3A_151 = vector.extract %slice3A_150[0] : i32 from vector<1xi32>
        %ne3A_152 = arith.constant 8192 : i32
        %ne3A_153 = arith.cmpi ne, %squeeze3A_151, %ne3A_152 : i32
        %convert_element_type3A_154 = arith.extui %ne3A_153 : i1 to i32
        %cond3A_155 = arith.constant 0 : i32
        %cond3A_156 = arith.cmpi ne, %convert_element_type3A_154, %cond3A_155 : i32
        scf.if %cond3A_156 {
          %mul3A_168 = arith.constant 8 : i32
          %mul3A_169 = arith.muli %add3A_91, %mul3A_168 : i32
          %add3A_170 = arith.addi %mul3A_2, %mul3A_169 : i32
          %dma_start3A = arith.constant 0 : i32
          %dma_start3A_171 = arith.constant 0 : i32
          %dma_start3A_172 = tpu.memref_slice %arg4[%add3A_170, %dma_start3A, %dma_start3A_171] : memref<16384x16x128xf32, #tpu.memory_space<hbm>> -> memref<8x16x128xf32, #tpu.memory_space<hbm>>
          %dma_start3A_173 = arith.constant 0 : i32
          %dma_start3A_174 = arith.constant 0 : i32
          %dma_start3A_175 = tpu.memref_slice %arg4[%add3A_170, %dma_start3A_173, %dma_start3A_174] : memref<16384x16x128xf32, #tpu.memory_space<hbm>> -> memref<8x16x128xf32, #tpu.memory_space<hbm>>
          tpu.enqueue_dma source(%arg7 : memref<8x16x128xf32, #tpu.memory_space<vmem>>) target(%dma_start3A_175 : memref<8x16x128xf32, #tpu.memory_space<hbm>>) target_semaphore(%arg20 : memref<!tpu.dma_semaphore, #tpu.memory_space<semaphore_mem>>)
        } else {
        }
        %not3A = arith.constant true
        %not3A_157 = arith.xori %ne3A_153, %not3A : i1
        %convert_element_type3A_158 = arith.extui %not3A_157 : i1 to i32
        %cond3A_159 = arith.constant 0 : i32
        %cond3A_160 = arith.cmpi ne, %convert_element_type3A_158, %cond3A_159 : i32
        scf.if %cond3A_160 {
          %mul3A_168 = arith.constant 8 : i32
          %mul3A_169 = arith.muli %add3A_91, %mul3A_168 : i32
          %add3A_170 = arith.addi %mul3A_2, %mul3A_169 : i32
          %dma_start3A = arith.constant 0 : i32
          %dma_start3A_171 = arith.constant 0 : i32
          %dma_start3A_172 = tpu.memref_slice %arg4[%add3A_170, %dma_start3A, %dma_start3A_171] : memref<16384x16x128xf32, #tpu.memory_space<hbm>> -> memref<8x16x128xf32, #tpu.memory_space<hbm>>
          %dma_start3A_173 = arith.constant 0 : i32
          %dma_start3A_174 = arith.constant 0 : i32
          %dma_start3A_175 = tpu.memref_slice %arg4[%add3A_170, %dma_start3A_173, %dma_start3A_174] : memref<16384x16x128xf32, #tpu.memory_space<hbm>> -> memref<8x16x128xf32, #tpu.memory_space<hbm>>
          tpu.enqueue_dma source(%arg12 : memref<8x16x128xf32, #tpu.memory_space<vmem>>) target(%dma_start3A_175 : memref<8x16x128xf32, #tpu.memory_space<hbm>>) target_semaphore(%arg20 : memref<!tpu.dma_semaphore, #tpu.memory_space<semaphore_mem>>)
        } else {
        }
        %add3A_161 = arith.constant 3 : i32
        %add3A_162 = arith.addi %add3A_91, %add3A_161 : i32
        %lt3A_163 = arith.constant 64 : i32
        %lt3A_164 = arith.cmpi slt, %add3A_162, %lt3A_163 : i32
        %convert_element_type3A_165 = arith.extui %lt3A_164 : i1 to i32
        %cond3A_166 = arith.constant 0 : i32
        %cond3A_167 = arith.cmpi ne, %convert_element_type3A_165, %cond3A_166 : i32
        scf.if %cond3A_167 {
          %ge3A = arith.constant 3 : i32
          %ge3A_168 = arith.cmpi sge, %add3A_91, %ge3A : i32
          %convert_element_type3A_169 = arith.extui %ge3A_168 : i1 to i32
          %cond3A_170 = arith.constant 0 : i32
          %cond3A_171 = arith.cmpi ne, %convert_element_type3A_169, %cond3A_170 : i32
          scf.if %cond3A_171 {
            %dma_wait3A_186 = arith.constant 0 : i32
            %dma_wait3A_187 = arith.constant 0 : i32
            %dma_wait3A_188 = arith.constant 0 : i32
            %dma_wait3A_189 = tpu.memref_slice %arg2[%dma_wait3A_186, %dma_wait3A_187, %dma_wait3A_188] : memref<8704x16x128xf32, #tpu.memory_space<hbm>> -> memref<8x16x128xf32, #tpu.memory_space<hbm>>
            %dma_wait3A_190 = arith.constant 0 : i32
            %dma_wait3A_191 = arith.constant 0 : i32
            %dma_wait3A_192 = arith.constant 0 : i32
            %dma_wait3A_193 = tpu.memref_slice %arg2[%dma_wait3A_190, %dma_wait3A_191, %dma_wait3A_192] : memref<8704x16x128xf32, #tpu.memory_space<hbm>> -> memref<8x16x128xf32, #tpu.memory_space<hbm>>
            tpu.wait_dma2 semaphore(%arg23 : memref<!tpu.dma_semaphore, #tpu.memory_space<semaphore_mem>>) src(%dma_wait3A_193 : memref<8x16x128xf32, #tpu.memory_space<hbm>>) dst(%arg10 : memref<8x16x128xf32, #tpu.memory_space<vmem>>)
          } else {
          }
          %add3A_172 = arith.constant 3 : i32
          %add3A_173 = arith.addi %add3A_91, %add3A_172 : i32
          %mul3A_174 = arith.constant 8 : i32
          %mul3A_175 = arith.muli %add3A_173, %mul3A_174 : i32
          %get3A_176 = arith.index_cast %mul3A_175 : i32 to index
          %get3A_177 = tpu.vector_load %arg5[%get3A_176] {strides = array<i32>} : memref<528xi32, #tpu.memory_space<vmem>>, vector<16xi32>,
          %get3A_178 = vector.shape_cast %get3A_177 : vector<16xi32> to vector<16xi32>
          %slice3A_179 = vector.extract_strided_slice %get3A_178 {offsets = [0], sizes = [1], strides = [1]} : vector<16xi32> to vector<1xi32>
          %squeeze3A_180 = vector.extract %slice3A_179[0] : i32 from vector<1xi32>
          %ne3A_181 = arith.constant 8192 : i32
          %ne3A_182 = arith.cmpi ne, %squeeze3A_180, %ne3A_181 : i32
          %convert_element_type3A_183 = arith.extui %ne3A_182 : i1 to i32
          %cond3A_184 = arith.constant 0 : i32
          %cond3A_185 = arith.cmpi ne, %convert_element_type3A_183, %cond3A_184 : i32
          scf.if %cond3A_185 {
            %mul3A_186 = arith.constant 8 : i32
            %mul3A_187 = arith.muli %add3A_173, %mul3A_186 : i32
            %dma_start3A = tpu.memref_slice %arg5[%mul3A_187] : memref<528xi32, #tpu.memory_space<vmem>> -> memref<8xi32, #tpu.memory_space<vmem>>
            %dma_start3A_188 = arith.constant 0 : i32
            %dma_start3A_189 = arith.constant 0 : i32
            %dma_start3A_190 = arith.constant 0 : i32
            %dma_start3A_191 = tpu.memref_slice %arg2[%dma_start3A_188, %dma_start3A_189, %dma_start3A_190] : memref<8704x16x128xf32, #tpu.memory_space<hbm>> -> memref<8704x16x128xf32, #tpu.memory_space<hbm>>
            tpu.enqueue_indirect_dma source(%dma_start3A_191 : memref<8704x16x128xf32, #tpu.memory_space<hbm>>) target(%arg10 : memref<8x16x128xf32, #tpu.memory_space<vmem>>) offsets(%dma_start3A : memref<8xi32, #tpu.memory_space<vmem>>) semaphore(%arg17 : memref<!tpu.dma_semaphore, #tpu.memory_space<semaphore_mem>>)
          } else {
          }
        } else {
        }
      } else {
      }
      %mul3A_97 = arith.constant 6 : i32
      %mul3A_98 = arith.muli %mul3A_97, %scan3A_79 : i32
      %add3A_99 = arith.constant 2 : i32
      %add3A_100 = arith.addi %mul3A_98, %add3A_99 : i32
      %lt3A_101 = arith.constant 64 : i32
      %lt3A_102 = arith.cmpi slt, %add3A_100, %lt3A_101 : i32
      %convert_element_type3A_103 = arith.extui %lt3A_102 : i1 to i32
      %cond3A_104 = arith.constant 0 : i32
      %cond3A_105 = arith.cmpi ne, %convert_element_type3A_103, %cond3A_104 : i32
      scf.if %cond3A_105 {
        %mul3A_133 = arith.constant 8 : i32
        %mul3A_134 = arith.muli %add3A_100, %mul3A_133 : i32
        %get3A_135 = arith.index_cast %mul3A_134 : i32 to index
        %get3A_136 = tpu.vector_load %arg5[%get3A_135] {strides = array<i32>} : memref<528xi32, #tpu.memory_space<vmem>>, vector<16xi32>,
        %get3A_137 = vector.shape_cast %get3A_136 : vector<16xi32> to vector<16xi32>
        %slice3A_138 = vector.extract_strided_slice %get3A_137 {offsets = [0], sizes = [1], strides = [1]} : vector<16xi32> to vector<1xi32>
        %squeeze3A_139 = vector.extract %slice3A_138[0] : i32 from vector<1xi32>
        %ne3A_140 = arith.constant 8192 : i32
        %ne3A_141 = arith.cmpi ne, %squeeze3A_139, %ne3A_140 : i32
        %convert_element_type3A_142 = arith.extui %ne3A_141 : i1 to i32
        %cond3A_143 = arith.constant 0 : i32
        %cond3A_144 = arith.cmpi ne, %convert_element_type3A_142, %cond3A_143 : i32
        scf.if %cond3A_144 {
          %dma_wait3A_168 = arith.constant 0 : i32
          %dma_wait3A_169 = arith.constant 0 : i32
          %dma_wait3A_170 = arith.constant 0 : i32
          %dma_wait3A_171 = tpu.memref_slice %arg2[%dma_wait3A_168, %dma_wait3A_169, %dma_wait3A_170] : memref<8704x16x128xf32, #tpu.memory_space<hbm>> -> memref<8x16x128xf32, #tpu.memory_space<hbm>>
          %dma_wait3A_172 = arith.constant 0 : i32
          %dma_wait3A_173 = arith.constant 0 : i32
          %dma_wait3A_174 = arith.constant 0 : i32
          %dma_wait3A_175 = tpu.memref_slice %arg2[%dma_wait3A_172, %dma_wait3A_173, %dma_wait3A_174] : memref<8704x16x128xf32, #tpu.memory_space<hbm>> -> memref<8x16x128xf32, #tpu.memory_space<hbm>>
          tpu.wait_dma2 semaphore(%arg15 : memref<!tpu.dma_semaphore, #tpu.memory_space<semaphore_mem>>) src(%dma_wait3A_175 : memref<8x16x128xf32, #tpu.memory_space<hbm>>) dst(%arg8 : memref<8x16x128xf32, #tpu.memory_space<vmem>>)
        } else {
        }
        %mul3A_145 = arith.constant 8 : i32
        %mul3A_146 = arith.muli %add3A_100, %mul3A_145 : i32
        %get3A_147 = arith.index_cast %mul3A_146 : i32 to index
        %get3A_148 = tpu.vector_load %arg5[%get3A_147] {strides = array<i32>} : memref<528xi32, #tpu.memory_space<vmem>>, vector<16xi32>,
        %get3A_149 = vector.shape_cast %get3A_148 : vector<16xi32> to vector<16xi32>
        %slice3A_150 = vector.extract_strided_slice %get3A_149 {offsets = [0], sizes = [1], strides = [1]} : vector<16xi32> to vector<1xi32>
        %squeeze3A_151 = vector.extract %slice3A_150[0] : i32 from vector<1xi32>
        %ne3A_152 = arith.constant 8192 : i32
        %ne3A_153 = arith.cmpi ne, %squeeze3A_151, %ne3A_152 : i32
        %convert_element_type3A_154 = arith.extui %ne3A_153 : i1 to i32
        %cond3A_155 = arith.constant 0 : i32
        %cond3A_156 = arith.cmpi ne, %convert_element_type3A_154, %cond3A_155 : i32
        scf.if %cond3A_156 {
          %mul3A_168 = arith.constant 8 : i32
          %mul3A_169 = arith.muli %add3A_100, %mul3A_168 : i32
          %add3A_170 = arith.addi %mul3A_2, %mul3A_169 : i32
          %dma_start3A = arith.constant 0 : i32
          %dma_start3A_171 = arith.constant 0 : i32
          %dma_start3A_172 = tpu.memref_slice %arg4[%add3A_170, %dma_start3A, %dma_start3A_171] : memref<16384x16x128xf32, #tpu.memory_space<hbm>> -> memref<8x16x128xf32, #tpu.memory_space<hbm>>
          %dma_start3A_173 = arith.constant 0 : i32
          %dma_start3A_174 = arith.constant 0 : i32
          %dma_start3A_175 = tpu.memref_slice %arg4[%add3A_170, %dma_start3A_173, %dma_start3A_174] : memref<16384x16x128xf32, #tpu.memory_space<hbm>> -> memref<8x16x128xf32, #tpu.memory_space<hbm>>
          tpu.enqueue_dma source(%arg8 : memref<8x16x128xf32, #tpu.memory_space<vmem>>) target(%dma_start3A_175 : memref<8x16x128xf32, #tpu.memory_space<hbm>>) target_semaphore(%arg21 : memref<!tpu.dma_semaphore, #tpu.memory_space<semaphore_mem>>)
        } else {
        }
        %not3A = arith.constant true
        %not3A_157 = arith.xori %ne3A_153, %not3A : i1
        %convert_element_type3A_158 = arith.extui %not3A_157 : i1 to i32
        %cond3A_159 = arith.constant 0 : i32
        %cond3A_160 = arith.cmpi ne, %convert_element_type3A_158, %cond3A_159 : i32
        scf.if %cond3A_160 {
          %mul3A_168 = arith.constant 8 : i32
          %mul3A_169 = arith.muli %add3A_100, %mul3A_168 : i32
          %add3A_170 = arith.addi %mul3A_2, %mul3A_169 : i32
          %dma_start3A = arith.constant 0 : i32
          %dma_start3A_171 = arith.constant 0 : i32
          %dma_start3A_172 = tpu.memref_slice %arg4[%add3A_170, %dma_start3A, %dma_start3A_171] : memref<16384x16x128xf32, #tpu.memory_space<hbm>> -> memref<8x16x128xf32, #tpu.memory_space<hbm>>
          %dma_start3A_173 = arith.constant 0 : i32
          %dma_start3A_174 = arith.constant 0 : i32
          %dma_start3A_175 = tpu.memref_slice %arg4[%add3A_170, %dma_start3A_173, %dma_start3A_174] : memref<16384x16x128xf32, #tpu.memory_space<hbm>> -> memref<8x16x128xf32, #tpu.memory_space<hbm>>
          tpu.enqueue_dma source(%arg12 : memref<8x16x128xf32, #tpu.memory_space<vmem>>) target(%dma_start3A_175 : memref<8x16x128xf32, #tpu.memory_space<hbm>>) target_semaphore(%arg21 : memref<!tpu.dma_semaphore, #tpu.memory_space<semaphore_mem>>)
        } else {
        }
        %add3A_161 = arith.constant 3 : i32
        %add3A_162 = arith.addi %add3A_100, %add3A_161 : i32
        %lt3A_163 = arith.constant 64 : i32
        %lt3A_164 = arith.cmpi slt, %add3A_162, %lt3A_163 : i32
        %convert_element_type3A_165 = arith.extui %lt3A_164 : i1 to i32
        %cond3A_166 = arith.constant 0 : i32
        %cond3A_167 = arith.cmpi ne, %convert_element_type3A_165, %cond3A_166 : i32
        scf.if %cond3A_167 {
          %ge3A = arith.constant 3 : i32
          %ge3A_168 = arith.cmpi sge, %add3A_100, %ge3A : i32
          %convert_element_type3A_169 = arith.extui %ge3A_168 : i1 to i32
          %cond3A_170 = arith.constant 0 : i32
          %cond3A_171 = arith.cmpi ne, %convert_element_type3A_169, %cond3A_170 : i32
          scf.if %cond3A_171 {
            %dma_wait3A_186 = arith.constant 0 : i32
            %dma_wait3A_187 = arith.constant 0 : i32
            %dma_wait3A_188 = arith.constant 0 : i32
            %dma_wait3A_189 = tpu.memref_slice %arg2[%dma_wait3A_186, %dma_wait3A_187, %dma_wait3A_188] : memref<8704x16x128xf32, #tpu.memory_space<hbm>> -> memref<8x16x128xf32, #tpu.memory_space<hbm>>
            %dma_wait3A_190 = arith.constant 0 : i32
            %dma_wait3A_191 = arith.constant 0 : i32
            %dma_wait3A_192 = arith.constant 0 : i32
            %dma_wait3A_193 = tpu.memref_slice %arg2[%dma_wait3A_190, %dma_wait3A_191, %dma_wait3A_192] : memref<8704x16x128xf32, #tpu.memory_space<hbm>> -> memref<8x16x128xf32, #tpu.memory_space<hbm>>
            tpu.wait_dma2 semaphore(%arg24 : memref<!tpu.dma_semaphore, #tpu.memory_space<semaphore_mem>>) src(%dma_wait3A_193 : memref<8x16x128xf32, #tpu.memory_space<hbm>>) dst(%arg11 : memref<8x16x128xf32, #tpu.memory_space<vmem>>)
          } else {
          }
          %add3A_172 = arith.constant 3 : i32
          %add3A_173 = arith.addi %add3A_100, %add3A_172 : i32
          %mul3A_174 = arith.constant 8 : i32
          %mul3A_175 = arith.muli %add3A_173, %mul3A_174 : i32
          %get3A_176 = arith.index_cast %mul3A_175 : i32 to index
          %get3A_177 = tpu.vector_load %arg5[%get3A_176] {strides = array<i32>} : memref<528xi32, #tpu.memory_space<vmem>>, vector<16xi32>,
          %get3A_178 = vector.shape_cast %get3A_177 : vector<16xi32> to vector<16xi32>
          %slice3A_179 = vector.extract_strided_slice %get3A_178 {offsets = [0], sizes = [1], strides = [1]} : vector<16xi32> to vector<1xi32>
          %squeeze3A_180 = vector.extract %slice3A_179[0] : i32 from vector<1xi32>
          %ne3A_181 = arith.constant 8192 : i32
          %ne3A_182 = arith.cmpi ne, %squeeze3A_180, %ne3A_181 : i32
          %convert_element_type3A_183 = arith.extui %ne3A_182 : i1 to i32
          %cond3A_184 = arith.constant 0 : i32
          %cond3A_185 = arith.cmpi ne, %convert_element_type3A_183, %cond3A_184 : i32
          scf.if %cond3A_185 {
            %mul3A_186 = arith.constant 8 : i32
            %mul3A_187 = arith.muli %add3A_173, %mul3A_186 : i32
            %dma_start3A = tpu.memref_slice %arg5[%mul3A_187] : memref<528xi32, #tpu.memory_space<vmem>> -> memref<8xi32, #tpu.memory_space<vmem>>
            %dma_start3A_188 = arith.constant 0 : i32
            %dma_start3A_189 = arith.constant 0 : i32
            %dma_start3A_190 = arith.constant 0 : i32
            %dma_start3A_191 = tpu.memref_slice %arg2[%dma_start3A_188, %dma_start3A_189, %dma_start3A_190] : memref<8704x16x128xf32, #tpu.memory_space<hbm>> -> memref<8704x16x128xf32, #tpu.memory_space<hbm>>
            tpu.enqueue_indirect_dma source(%dma_start3A_191 : memref<8704x16x128xf32, #tpu.memory_space<hbm>>) target(%arg11 : memref<8x16x128xf32, #tpu.memory_space<vmem>>) offsets(%dma_start3A : memref<8xi32, #tpu.memory_space<vmem>>) semaphore(%arg18 : memref<!tpu.dma_semaphore, #tpu.memory_space<semaphore_mem>>)
          } else {
          }
        } else {
        }
      } else {
      }
      %mul3A_106 = arith.constant 6 : i32
      %mul3A_107 = arith.muli %mul3A_106, %scan3A_79 : i32
      %add3A_108 = arith.constant 3 : i32
      %add3A_109 = arith.addi %mul3A_107, %add3A_108 : i32
      %lt3A_110 = arith.constant 64 : i32
      %lt3A_111 = arith.cmpi slt, %add3A_109, %lt3A_110 : i32
      %convert_element_type3A_112 = arith.extui %lt3A_111 : i1 to i32
      %cond3A_113 = arith.constant 0 : i32
      %cond3A_114 = arith.cmpi ne, %convert_element_type3A_112, %cond3A_113 : i32
      scf.if %cond3A_114 {
        %mul3A_133 = arith.constant 8 : i32
        %mul3A_134 = arith.muli %add3A_109, %mul3A_133 : i32
        %get3A_135 = arith.index_cast %mul3A_134 : i32 to index
        %get3A_136 = tpu.vector_load %arg5[%get3A_135] {strides = array<i32>} : memref<528xi32, #tpu.memory_space<vmem>>, vector<16xi32>,
        %get3A_137 = vector.shape_cast %get3A_136 : vector<16xi32> to vector<16xi32>
        %slice3A_138 = vector.extract_strided_slice %get3A_137 {offsets = [0], sizes = [1], strides = [1]} : vector<16xi32> to vector<1xi32>
        %squeeze3A_139 = vector.extract %slice3A_138[0] : i32 from vector<1xi32>
        %ne3A_140 = arith.constant 8192 : i32
        %ne3A_141 = arith.cmpi ne, %squeeze3A_139, %ne3A_140 : i32
        %convert_element_type3A_142 = arith.extui %ne3A_141 : i1 to i32
        %cond3A_143 = arith.constant 0 : i32
        %cond3A_144 = arith.cmpi ne, %convert_element_type3A_142, %cond3A_143 : i32
        scf.if %cond3A_144 {
          %dma_wait3A_168 = arith.constant 0 : i32
          %dma_wait3A_169 = arith.constant 0 : i32
          %dma_wait3A_170 = arith.constant 0 : i32
          %dma_wait3A_171 = tpu.memref_slice %arg2[%dma_wait3A_168, %dma_wait3A_169, %dma_wait3A_170] : memref<8704x16x128xf32, #tpu.memory_space<hbm>> -> memref<8x16x128xf32, #tpu.memory_space<hbm>>
          %dma_wait3A_172 = arith.constant 0 : i32
          %dma_wait3A_173 = arith.constant 0 : i32
          %dma_wait3A_174 = arith.constant 0 : i32
          %dma_wait3A_175 = tpu.memref_slice %arg2[%dma_wait3A_172, %dma_wait3A_173, %dma_wait3A_174] : memref<8704x16x128xf32, #tpu.memory_space<hbm>> -> memref<8x16x128xf32, #tpu.memory_space<hbm>>
          tpu.wait_dma2 semaphore(%arg16 : memref<!tpu.dma_semaphore, #tpu.memory_space<semaphore_mem>>) src(%dma_wait3A_175 : memref<8x16x128xf32, #tpu.memory_space<hbm>>) dst(%arg9 : memref<8x16x128xf32, #tpu.memory_space<vmem>>)
        } else {
        }
        %mul3A_145 = arith.constant 8 : i32
        %mul3A_146 = arith.muli %add3A_109, %mul3A_145 : i32
        %get3A_147 = arith.index_cast %mul3A_146 : i32 to index
        %get3A_148 = tpu.vector_load %arg5[%get3A_147] {strides = array<i32>} : memref<528xi32, #tpu.memory_space<vmem>>, vector<16xi32>,
        %get3A_149 = vector.shape_cast %get3A_148 : vector<16xi32> to vector<16xi32>
        %slice3A_150 = vector.extract_strided_slice %get3A_149 {offsets = [0], sizes = [1], strides = [1]} : vector<16xi32> to vector<1xi32>
        %squeeze3A_151 = vector.extract %slice3A_150[0] : i32 from vector<1xi32>
        %ne3A_152 = arith.constant 8192 : i32
        %ne3A_153 = arith.cmpi ne, %squeeze3A_151, %ne3A_152 : i32
        %convert_element_type3A_154 = arith.extui %ne3A_153 : i1 to i32
        %cond3A_155 = arith.constant 0 : i32
        %cond3A_156 = arith.cmpi ne, %convert_element_type3A_154, %cond3A_155 : i32
        scf.if %cond3A_156 {
          %mul3A_168 = arith.constant 8 : i32
          %mul3A_169 = arith.muli %add3A_109, %mul3A_168 : i32
          %add3A_170 = arith.addi %mul3A_2, %mul3A_169 : i32
          %dma_start3A = arith.constant 0 : i32
          %dma_start3A_171 = arith.constant 0 : i32
          %dma_start3A_172 = tpu.memref_slice %arg4[%add3A_170, %dma_start3A, %dma_start3A_171] : memref<16384x16x128xf32, #tpu.memory_space<hbm>> -> memref<8x16x128xf32, #tpu.memory_space<hbm>>
          %dma_start3A_173 = arith.constant 0 : i32
          %dma_start3A_174 = arith.constant 0 : i32
          %dma_start3A_175 = tpu.memref_slice %arg4[%add3A_170, %dma_start3A_173, %dma_start3A_174] : memref<16384x16x128xf32, #tpu.memory_space<hbm>> -> memref<8x16x128xf32, #tpu.memory_space<hbm>>
          tpu.enqueue_dma source(%arg9 : memref<8x16x128xf32, #tpu.memory_space<vmem>>) target(%dma_start3A_175 : memref<8x16x128xf32, #tpu.memory_space<hbm>>) target_semaphore(%arg22 : memref<!tpu.dma_semaphore, #tpu.memory_space<semaphore_mem>>)
        } else {
        }
        %not3A = arith.constant true
        %not3A_157 = arith.xori %ne3A_153, %not3A : i1
        %convert_element_type3A_158 = arith.extui %not3A_157 : i1 to i32
        %cond3A_159 = arith.constant 0 : i32
        %cond3A_160 = arith.cmpi ne, %convert_element_type3A_158, %cond3A_159 : i32
        scf.if %cond3A_160 {
          %mul3A_168 = arith.constant 8 : i32
          %mul3A_169 = arith.muli %add3A_109, %mul3A_168 : i32
          %add3A_170 = arith.addi %mul3A_2, %mul3A_169 : i32
          %dma_start3A = arith.constant 0 : i32
          %dma_start3A_171 = arith.constant 0 : i32
          %dma_start3A_172 = tpu.memref_slice %arg4[%add3A_170, %dma_start3A, %dma_start3A_171] : memref<16384x16x128xf32, #tpu.memory_space<hbm>> -> memref<8x16x128xf32, #tpu.memory_space<hbm>>
          %dma_start3A_173 = arith.constant 0 : i32
          %dma_start3A_174 = arith.constant 0 : i32
          %dma_start3A_175 = tpu.memref_slice %arg4[%add3A_170, %dma_start3A_173, %dma_start3A_174] : memref<16384x16x128xf32, #tpu.memory_space<hbm>> -> memref<8x16x128xf32, #tpu.memory_space<hbm>>
          tpu.enqueue_dma source(%arg12 : memref<8x16x128xf32, #tpu.memory_space<vmem>>) target(%dma_start3A_175 : memref<8x16x128xf32, #tpu.memory_space<hbm>>) target_semaphore(%arg22 : memref<!tpu.dma_semaphore, #tpu.memory_space<semaphore_mem>>)
        } else {
        }
        %add3A_161 = arith.constant 3 : i32
        %add3A_162 = arith.addi %add3A_109, %add3A_161 : i32
        %lt3A_163 = arith.constant 64 : i32
        %lt3A_164 = arith.cmpi slt, %add3A_162, %lt3A_163 : i32
        %convert_element_type3A_165 = arith.extui %lt3A_164 : i1 to i32
        %cond3A_166 = arith.constant 0 : i32
        %cond3A_167 = arith.cmpi ne, %convert_element_type3A_165, %cond3A_166 : i32
        scf.if %cond3A_167 {
          %ge3A = arith.constant 3 : i32
          %ge3A_168 = arith.cmpi sge, %add3A_109, %ge3A : i32
          %convert_element_type3A_169 = arith.extui %ge3A_168 : i1 to i32
          %cond3A_170 = arith.constant 0 : i32
          %cond3A_171 = arith.cmpi ne, %convert_element_type3A_169, %cond3A_170 : i32
          scf.if %cond3A_171 {
            %dma_wait3A_186 = arith.constant 0 : i32
            %dma_wait3A_187 = arith.constant 0 : i32
            %dma_wait3A_188 = arith.constant 0 : i32
            %dma_wait3A_189 = tpu.memref_slice %arg2[%dma_wait3A_186, %dma_wait3A_187, %dma_wait3A_188] : memref<8704x16x128xf32, #tpu.memory_space<hbm>> -> memref<8x16x128xf32, #tpu.memory_space<hbm>>
            %dma_wait3A_190 = arith.constant 0 : i32
            %dma_wait3A_191 = arith.constant 0 : i32
            %dma_wait3A_192 = arith.constant 0 : i32
            %dma_wait3A_193 = tpu.memref_slice %arg2[%dma_wait3A_190, %dma_wait3A_191, %dma_wait3A_192] : memref<8704x16x128xf32, #tpu.memory_space<hbm>> -> memref<8x16x128xf32, #tpu.memory_space<hbm>>
            tpu.wait_dma2 semaphore(%arg19 : memref<!tpu.dma_semaphore, #tpu.memory_space<semaphore_mem>>) src(%dma_wait3A_193 : memref<8x16x128xf32, #tpu.memory_space<hbm>>) dst(%arg6 : memref<8x16x128xf32, #tpu.memory_space<vmem>>)
          } else {
          }
          %add3A_172 = arith.constant 3 : i32
          %add3A_173 = arith.addi %add3A_109, %add3A_172 : i32
          %mul3A_174 = arith.constant 8 : i32
          %mul3A_175 = arith.muli %add3A_173, %mul3A_174 : i32
          %get3A_176 = arith.index_cast %mul3A_175 : i32 to index
          %get3A_177 = tpu.vector_load %arg5[%get3A_176] {strides = array<i32>} : memref<528xi32, #tpu.memory_space<vmem>>, vector<16xi32>,
          %get3A_178 = vector.shape_cast %get3A_177 : vector<16xi32> to vector<16xi32>
          %slice3A_179 = vector.extract_strided_slice %get3A_178 {offsets = [0], sizes = [1], strides = [1]} : vector<16xi32> to vector<1xi32>
          %squeeze3A_180 = vector.extract %slice3A_179[0] : i32 from vector<1xi32>
          %ne3A_181 = arith.constant 8192 : i32
          %ne3A_182 = arith.cmpi ne, %squeeze3A_180, %ne3A_181 : i32
          %convert_element_type3A_183 = arith.extui %ne3A_182 : i1 to i32
          %cond3A_184 = arith.constant 0 : i32
          %cond3A_185 = arith.cmpi ne, %convert_element_type3A_183, %cond3A_184 : i32
          scf.if %cond3A_185 {
            %mul3A_186 = arith.constant 8 : i32
            %mul3A_187 = arith.muli %add3A_173, %mul3A_186 : i32
            %dma_start3A = tpu.memref_slice %arg5[%mul3A_187] : memref<528xi32, #tpu.memory_space<vmem>> -> memref<8xi32, #tpu.memory_space<vmem>>
            %dma_start3A_188 = arith.constant 0 : i32
            %dma_start3A_189 = arith.constant 0 : i32
            %dma_start3A_190 = arith.constant 0 : i32
            %dma_start3A_191 = tpu.memref_slice %arg2[%dma_start3A_188, %dma_start3A_189, %dma_start3A_190] : memref<8704x16x128xf32, #tpu.memory_space<hbm>> -> memref<8704x16x128xf32, #tpu.memory_space<hbm>>
            tpu.enqueue_indirect_dma source(%dma_start3A_191 : memref<8704x16x128xf32, #tpu.memory_space<hbm>>) target(%arg6 : memref<8x16x128xf32, #tpu.memory_space<vmem>>) offsets(%dma_start3A : memref<8xi32, #tpu.memory_space<vmem>>) semaphore(%arg13 : memref<!tpu.dma_semaphore, #tpu.memory_space<semaphore_mem>>)
          } else {
          }
        } else {
        }
      } else {
      }
      %mul3A_115 = arith.constant 6 : i32
      %mul3A_116 = arith.muli %mul3A_115, %scan3A_79 : i32
      %add3A_117 = arith.constant 4 : i32
      %add3A_118 = arith.addi %mul3A_116, %add3A_117 : i32
      %lt3A_119 = arith.constant 64 : i32
      %lt3A_120 = arith.cmpi slt, %add3A_118, %lt3A_119 : i32
      %convert_element_type3A_121 = arith.extui %lt3A_120 : i1 to i32
      %cond3A_122 = arith.constant 0 : i32
      %cond3A_123 = arith.cmpi ne, %convert_element_type3A_121, %cond3A_122 : i32
      scf.if %cond3A_123 {
        %mul3A_133 = arith.constant 8 : i32
        %mul3A_134 = arith.muli %add3A_118, %mul3A_133 : i32
        %get3A_135 = arith.index_cast %mul3A_134 : i32 to index
        %get3A_136 = tpu.vector_load %arg5[%get3A_135] {strides = array<i32>} : memref<528xi32, #tpu.memory_space<vmem>>, vector<16xi32>,
        %get3A_137 = vector.shape_cast %get3A_136 : vector<16xi32> to vector<16xi32>
        %slice3A_138 = vector.extract_strided_slice %get3A_137 {offsets = [0], sizes = [1], strides = [1]} : vector<16xi32> to vector<1xi32>
        %squeeze3A_139 = vector.extract %slice3A_138[0] : i32 from vector<1xi32>
        %ne3A_140 = arith.constant 8192 : i32
        %ne3A_141 = arith.cmpi ne, %squeeze3A_139, %ne3A_140 : i32
        %convert_element_type3A_142 = arith.extui %ne3A_141 : i1 to i32
        %cond3A_143 = arith.constant 0 : i32
        %cond3A_144 = arith.cmpi ne, %convert_element_type3A_142, %cond3A_143 : i32
        scf.if %cond3A_144 {
          %dma_wait3A_168 = arith.constant 0 : i32
          %dma_wait3A_169 = arith.constant 0 : i32
          %dma_wait3A_170 = arith.constant 0 : i32
          %dma_wait3A_171 = tpu.memref_slice %arg2[%dma_wait3A_168, %dma_wait3A_169, %dma_wait3A_170] : memref<8704x16x128xf32, #tpu.memory_space<hbm>> -> memref<8x16x128xf32, #tpu.memory_space<hbm>>
          %dma_wait3A_172 = arith.constant 0 : i32
          %dma_wait3A_173 = arith.constant 0 : i32
          %dma_wait3A_174 = arith.constant 0 : i32
          %dma_wait3A_175 = tpu.memref_slice %arg2[%dma_wait3A_172, %dma_wait3A_173, %dma_wait3A_174] : memref<8704x16x128xf32, #tpu.memory_space<hbm>> -> memref<8x16x128xf32, #tpu.memory_space<hbm>>
          tpu.wait_dma2 semaphore(%arg17 : memref<!tpu.dma_semaphore, #tpu.memory_space<semaphore_mem>>) src(%dma_wait3A_175 : memref<8x16x128xf32, #tpu.memory_space<hbm>>) dst(%arg10 : memref<8x16x128xf32, #tpu.memory_space<vmem>>)
        } else {
        }
        %mul3A_145 = arith.constant 8 : i32
        %mul3A_146 = arith.muli %add3A_118, %mul3A_145 : i32
        %get3A_147 = arith.index_cast %mul3A_146 : i32 to index
        %get3A_148 = tpu.vector_load %arg5[%get3A_147] {strides = array<i32>} : memref<528xi32, #tpu.memory_space<vmem>>, vector<16xi32>,
        %get3A_149 = vector.shape_cast %get3A_148 : vector<16xi32> to vector<16xi32>
        %slice3A_150 = vector.extract_strided_slice %get3A_149 {offsets = [0], sizes = [1], strides = [1]} : vector<16xi32> to vector<1xi32>
        %squeeze3A_151 = vector.extract %slice3A_150[0] : i32 from vector<1xi32>
        %ne3A_152 = arith.constant 8192 : i32
        %ne3A_153 = arith.cmpi ne, %squeeze3A_151, %ne3A_152 : i32
        %convert_element_type3A_154 = arith.extui %ne3A_153 : i1 to i32
        %cond3A_155 = arith.constant 0 : i32
        %cond3A_156 = arith.cmpi ne, %convert_element_type3A_154, %cond3A_155 : i32
        scf.if %cond3A_156 {
          %mul3A_168 = arith.constant 8 : i32
          %mul3A_169 = arith.muli %add3A_118, %mul3A_168 : i32
          %add3A_170 = arith.addi %mul3A_2, %mul3A_169 : i32
          %dma_start3A = arith.constant 0 : i32
          %dma_start3A_171 = arith.constant 0 : i32
          %dma_start3A_172 = tpu.memref_slice %arg4[%add3A_170, %dma_start3A, %dma_start3A_171] : memref<16384x16x128xf32, #tpu.memory_space<hbm>> -> memref<8x16x128xf32, #tpu.memory_space<hbm>>
          %dma_start3A_173 = arith.constant 0 : i32
          %dma_start3A_174 = arith.constant 0 : i32
          %dma_start3A_175 = tpu.memref_slice %arg4[%add3A_170, %dma_start3A_173, %dma_start3A_174] : memref<16384x16x128xf32, #tpu.memory_space<hbm>> -> memref<8x16x128xf32, #tpu.memory_space<hbm>>
          tpu.enqueue_dma source(%arg10 : memref<8x16x128xf32, #tpu.memory_space<vmem>>) target(%dma_start3A_175 : memref<8x16x128xf32, #tpu.memory_space<hbm>>) target_semaphore(%arg23 : memref<!tpu.dma_semaphore, #tpu.memory_space<semaphore_mem>>)
        } else {
        }
        %not3A = arith.constant true
        %not3A_157 = arith.xori %ne3A_153, %not3A : i1
        %convert_element_type3A_158 = arith.extui %not3A_157 : i1 to i32
        %cond3A_159 = arith.constant 0 : i32
        %cond3A_160 = arith.cmpi ne, %convert_element_type3A_158, %cond3A_159 : i32
        scf.if %cond3A_160 {
          %mul3A_168 = arith.constant 8 : i32
          %mul3A_169 = arith.muli %add3A_118, %mul3A_168 : i32
          %add3A_170 = arith.addi %mul3A_2, %mul3A_169 : i32
          %dma_start3A = arith.constant 0 : i32
          %dma_start3A_171 = arith.constant 0 : i32
          %dma_start3A_172 = tpu.memref_slice %arg4[%add3A_170, %dma_start3A, %dma_start3A_171] : memref<16384x16x128xf32, #tpu.memory_space<hbm>> -> memref<8x16x128xf32, #tpu.memory_space<hbm>>
          %dma_start3A_173 = arith.constant 0 : i32
          %dma_start3A_174 = arith.constant 0 : i32
          %dma_start3A_175 = tpu.memref_slice %arg4[%add3A_170, %dma_start3A_173, %dma_start3A_174] : memref<16384x16x128xf32, #tpu.memory_space<hbm>> -> memref<8x16x128xf32, #tpu.memory_space<hbm>>
          tpu.enqueue_dma source(%arg12 : memref<8x16x128xf32, #tpu.memory_space<vmem>>) target(%dma_start3A_175 : memref<8x16x128xf32, #tpu.memory_space<hbm>>) target_semaphore(%arg23 : memref<!tpu.dma_semaphore, #tpu.memory_space<semaphore_mem>>)
        } else {
        }
        %add3A_161 = arith.constant 3 : i32
        %add3A_162 = arith.addi %add3A_118, %add3A_161 : i32
        %lt3A_163 = arith.constant 64 : i32
        %lt3A_164 = arith.cmpi slt, %add3A_162, %lt3A_163 : i32
        %convert_element_type3A_165 = arith.extui %lt3A_164 : i1 to i32
        %cond3A_166 = arith.constant 0 : i32
        %cond3A_167 = arith.cmpi ne, %convert_element_type3A_165, %cond3A_166 : i32
        scf.if %cond3A_167 {
          %ge3A = arith.constant 3 : i32
          %ge3A_168 = arith.cmpi sge, %add3A_118, %ge3A : i32
          %convert_element_type3A_169 = arith.extui %ge3A_168 : i1 to i32
          %cond3A_170 = arith.constant 0 : i32
          %cond3A_171 = arith.cmpi ne, %convert_element_type3A_169, %cond3A_170 : i32
          scf.if %cond3A_171 {
            %dma_wait3A_186 = arith.constant 0 : i32
            %dma_wait3A_187 = arith.constant 0 : i32
            %dma_wait3A_188 = arith.constant 0 : i32
            %dma_wait3A_189 = tpu.memref_slice %arg2[%dma_wait3A_186, %dma_wait3A_187, %dma_wait3A_188] : memref<8704x16x128xf32, #tpu.memory_space<hbm>> -> memref<8x16x128xf32, #tpu.memory_space<hbm>>
            %dma_wait3A_190 = arith.constant 0 : i32
            %dma_wait3A_191 = arith.constant 0 : i32
            %dma_wait3A_192 = arith.constant 0 : i32
            %dma_wait3A_193 = tpu.memref_slice %arg2[%dma_wait3A_190, %dma_wait3A_191, %dma_wait3A_192] : memref<8704x16x128xf32, #tpu.memory_space<hbm>> -> memref<8x16x128xf32, #tpu.memory_space<hbm>>
            tpu.wait_dma2 semaphore(%arg20 : memref<!tpu.dma_semaphore, #tpu.memory_space<semaphore_mem>>) src(%dma_wait3A_193 : memref<8x16x128xf32, #tpu.memory_space<hbm>>) dst(%arg7 : memref<8x16x128xf32, #tpu.memory_space<vmem>>)
          } else {
          }
          %add3A_172 = arith.constant 3 : i32
          %add3A_173 = arith.addi %add3A_118, %add3A_172 : i32
          %mul3A_174 = arith.constant 8 : i32
          %mul3A_175 = arith.muli %add3A_173, %mul3A_174 : i32
          %get3A_176 = arith.index_cast %mul3A_175 : i32 to index
          %get3A_177 = tpu.vector_load %arg5[%get3A_176] {strides = array<i32>} : memref<528xi32, #tpu.memory_space<vmem>>, vector<16xi32>,
          %get3A_178 = vector.shape_cast %get3A_177 : vector<16xi32> to vector<16xi32>
          %slice3A_179 = vector.extract_strided_slice %get3A_178 {offsets = [0], sizes = [1], strides = [1]} : vector<16xi32> to vector<1xi32>
          %squeeze3A_180 = vector.extract %slice3A_179[0] : i32 from vector<1xi32>
          %ne3A_181 = arith.constant 8192 : i32
          %ne3A_182 = arith.cmpi ne, %squeeze3A_180, %ne3A_181 : i32
          %convert_element_type3A_183 = arith.extui %ne3A_182 : i1 to i32
          %cond3A_184 = arith.constant 0 : i32
          %cond3A_185 = arith.cmpi ne, %convert_element_type3A_183, %cond3A_184 : i32
          scf.if %cond3A_185 {
            %mul3A_186 = arith.constant 8 : i32
            %mul3A_187 = arith.muli %add3A_173, %mul3A_186 : i32
            %dma_start3A = tpu.memref_slice %arg5[%mul3A_187] : memref<528xi32, #tpu.memory_space<vmem>> -> memref<8xi32, #tpu.memory_space<vmem>>
            %dma_start3A_188 = arith.constant 0 : i32
            %dma_start3A_189 = arith.constant 0 : i32
            %dma_start3A_190 = arith.constant 0 : i32
            %dma_start3A_191 = tpu.memref_slice %arg2[%dma_start3A_188, %dma_start3A_189, %dma_start3A_190] : memref<8704x16x128xf32, #tpu.memory_space<hbm>> -> memref<8704x16x128xf32, #tpu.memory_space<hbm>>
            tpu.enqueue_indirect_dma source(%dma_start3A_191 : memref<8704x16x128xf32, #tpu.memory_space<hbm>>) target(%arg7 : memref<8x16x128xf32, #tpu.memory_space<vmem>>) offsets(%dma_start3A : memref<8xi32, #tpu.memory_space<vmem>>) semaphore(%arg14 : memref<!tpu.dma_semaphore, #tpu.memory_space<semaphore_mem>>)
          } else {
          }
        } else {
        }
      } else {
      }
      %mul3A_124 = arith.constant 6 : i32
      %mul3A_125 = arith.muli %mul3A_124, %scan3A_79 : i32
      %add3A_126 = arith.constant 5 : i32
      %add3A_127 = arith.addi %mul3A_125, %add3A_126 : i32
      %lt3A_128 = arith.constant 64 : i32
      %lt3A_129 = arith.cmpi slt, %add3A_127, %lt3A_128 : i32
      %convert_element_type3A_130 = arith.extui %lt3A_129 : i1 to i32
      %cond3A_131 = arith.constant 0 : i32
      %cond3A_132 = arith.cmpi ne, %convert_element_type3A_130, %cond3A_131 : i32
      scf.if %cond3A_132 {
        %mul3A_133 = arith.constant 8 : i32
        %mul3A_134 = arith.muli %add3A_127, %mul3A_133 : i32
        %get3A_135 = arith.index_cast %mul3A_134 : i32 to index
        %get3A_136 = tpu.vector_load %arg5[%get3A_135] {strides = array<i32>} : memref<528xi32, #tpu.memory_space<vmem>>, vector<16xi32>,
        %get3A_137 = vector.shape_cast %get3A_136 : vector<16xi32> to vector<16xi32>
        %slice3A_138 = vector.extract_strided_slice %get3A_137 {offsets = [0], sizes = [1], strides = [1]} : vector<16xi32> to vector<1xi32>
        %squeeze3A_139 = vector.extract %slice3A_138[0] : i32 from vector<1xi32>
        %ne3A_140 = arith.constant 8192 : i32
        %ne3A_141 = arith.cmpi ne, %squeeze3A_139, %ne3A_140 : i32
        %convert_element_type3A_142 = arith.extui %ne3A_141 : i1 to i32
        %cond3A_143 = arith.constant 0 : i32
        %cond3A_144 = arith.cmpi ne, %convert_element_type3A_142, %cond3A_143 : i32
        scf.if %cond3A_144 {
          %dma_wait3A_168 = arith.constant 0 : i32
          %dma_wait3A_169 = arith.constant 0 : i32
          %dma_wait3A_170 = arith.constant 0 : i32
          %dma_wait3A_171 = tpu.memref_slice %arg2[%dma_wait3A_168, %dma_wait3A_169, %dma_wait3A_170] : memref<8704x16x128xf32, #tpu.memory_space<hbm>> -> memref<8x16x128xf32, #tpu.memory_space<hbm>>
          %dma_wait3A_172 = arith.constant 0 : i32
          %dma_wait3A_173 = arith.constant 0 : i32
          %dma_wait3A_174 = arith.constant 0 : i32
          %dma_wait3A_175 = tpu.memref_slice %arg2[%dma_wait3A_172, %dma_wait3A_173, %dma_wait3A_174] : memref<8704x16x128xf32, #tpu.memory_space<hbm>> -> memref<8x16x128xf32, #tpu.memory_space<hbm>>
          tpu.wait_dma2 semaphore(%arg18 : memref<!tpu.dma_semaphore, #tpu.memory_space<semaphore_mem>>) src(%dma_wait3A_175 : memref<8x16x128xf32, #tpu.memory_space<hbm>>) dst(%arg11 : memref<8x16x128xf32, #tpu.memory_space<vmem>>)
        } else {
        }
        %mul3A_145 = arith.constant 8 : i32
        %mul3A_146 = arith.muli %add3A_127, %mul3A_145 : i32
        %get3A_147 = arith.index_cast %mul3A_146 : i32 to index
        %get3A_148 = tpu.vector_load %arg5[%get3A_147] {strides = array<i32>} : memref<528xi32, #tpu.memory_space<vmem>>, vector<16xi32>,
        %get3A_149 = vector.shape_cast %get3A_148 : vector<16xi32> to vector<16xi32>
        %slice3A_150 = vector.extract_strided_slice %get3A_149 {offsets = [0], sizes = [1], strides = [1]} : vector<16xi32> to vector<1xi32>
        %squeeze3A_151 = vector.extract %slice3A_150[0] : i32 from vector<1xi32>
        %ne3A_152 = arith.constant 8192 : i32
        %ne3A_153 = arith.cmpi ne, %squeeze3A_151, %ne3A_152 : i32
        %convert_element_type3A_154 = arith.extui %ne3A_153 : i1 to i32
        %cond3A_155 = arith.constant 0 : i32
        %cond3A_156 = arith.cmpi ne, %convert_element_type3A_154, %cond3A_155 : i32
        scf.if %cond3A_156 {
          %mul3A_168 = arith.constant 8 : i32
          %mul3A_169 = arith.muli %add3A_127, %mul3A_168 : i32
          %add3A_170 = arith.addi %mul3A_2, %mul3A_169 : i32
          %dma_start3A = arith.constant 0 : i32
          %dma_start3A_171 = arith.constant 0 : i32
          %dma_start3A_172 = tpu.memref_slice %arg4[%add3A_170, %dma_start3A, %dma_start3A_171] : memref<16384x16x128xf32, #tpu.memory_space<hbm>> -> memref<8x16x128xf32, #tpu.memory_space<hbm>>
          %dma_start3A_173 = arith.constant 0 : i32
          %dma_start3A_174 = arith.constant 0 : i32
          %dma_start3A_175 = tpu.memref_slice %arg4[%add3A_170, %dma_start3A_173, %dma_start3A_174] : memref<16384x16x128xf32, #tpu.memory_space<hbm>> -> memref<8x16x128xf32, #tpu.memory_space<hbm>>
          tpu.enqueue_dma source(%arg11 : memref<8x16x128xf32, #tpu.memory_space<vmem>>) target(%dma_start3A_175 : memref<8x16x128xf32, #tpu.memory_space<hbm>>) target_semaphore(%arg24 : memref<!tpu.dma_semaphore, #tpu.memory_space<semaphore_mem>>)
        } else {
        }
        %not3A = arith.constant true
        %not3A_157 = arith.xori %ne3A_153, %not3A : i1
        %convert_element_type3A_158 = arith.extui %not3A_157 : i1 to i32
        %cond3A_159 = arith.constant 0 : i32
        %cond3A_160 = arith.cmpi ne, %convert_element_type3A_158, %cond3A_159 : i32
        scf.if %cond3A_160 {
          %mul3A_168 = arith.constant 8 : i32
          %mul3A_169 = arith.muli %add3A_127, %mul3A_168 : i32
          %add3A_170 = arith.addi %mul3A_2, %mul3A_169 : i32
          %dma_start3A = arith.constant 0 : i32
          %dma_start3A_171 = arith.constant 0 : i32
          %dma_start3A_172 = tpu.memref_slice %arg4[%add3A_170, %dma_start3A, %dma_start3A_171] : memref<16384x16x128xf32, #tpu.memory_space<hbm>> -> memref<8x16x128xf32, #tpu.memory_space<hbm>>
          %dma_start3A_173 = arith.constant 0 : i32
          %dma_start3A_174 = arith.constant 0 : i32
          %dma_start3A_175 = tpu.memref_slice %arg4[%add3A_170, %dma_start3A_173, %dma_start3A_174] : memref<16384x16x128xf32, #tpu.memory_space<hbm>> -> memref<8x16x128xf32, #tpu.memory_space<hbm>>
          tpu.enqueue_dma source(%arg12 : memref<8x16x128xf32, #tpu.memory_space<vmem>>) target(%dma_start3A_175 : memref<8x16x128xf32, #tpu.memory_space<hbm>>) target_semaphore(%arg24 : memref<!tpu.dma_semaphore, #tpu.memory_space<semaphore_mem>>)
        } else {
        }
        %add3A_161 = arith.constant 3 : i32
        %add3A_162 = arith.addi %add3A_127, %add3A_161 : i32
        %lt3A_163 = arith.constant 64 : i32
        %lt3A_164 = arith.cmpi slt, %add3A_162, %lt3A_163 : i32
        %convert_element_type3A_165 = arith.extui %lt3A_164 : i1 to i32
        %cond3A_166 = arith.constant 0 : i32
        %cond3A_167 = arith.cmpi ne, %convert_element_type3A_165, %cond3A_166 : i32
        scf.if %cond3A_167 {
          %ge3A = arith.constant 3 : i32
          %ge3A_168 = arith.cmpi sge, %add3A_127, %ge3A : i32
          %convert_element_type3A_169 = arith.extui %ge3A_168 : i1 to i32
          %cond3A_170 = arith.constant 0 : i32
          %cond3A_171 = arith.cmpi ne, %convert_element_type3A_169, %cond3A_170 : i32
          scf.if %cond3A_171 {
            %dma_wait3A_186 = arith.constant 0 : i32
            %dma_wait3A_187 = arith.constant 0 : i32
            %dma_wait3A_188 = arith.constant 0 : i32
            %dma_wait3A_189 = tpu.memref_slice %arg2[%dma_wait3A_186, %dma_wait3A_187, %dma_wait3A_188] : memref<8704x16x128xf32, #tpu.memory_space<hbm>> -> memref<8x16x128xf32, #tpu.memory_space<hbm>>
            %dma_wait3A_190 = arith.constant 0 : i32
            %dma_wait3A_191 = arith.constant 0 : i32
            %dma_wait3A_192 = arith.constant 0 : i32
            %dma_wait3A_193 = tpu.memref_slice %arg2[%dma_wait3A_190, %dma_wait3A_191, %dma_wait3A_192] : memref<8704x16x128xf32, #tpu.memory_space<hbm>> -> memref<8x16x128xf32, #tpu.memory_space<hbm>>
            tpu.wait_dma2 semaphore(%arg21 : memref<!tpu.dma_semaphore, #tpu.memory_space<semaphore_mem>>) src(%dma_wait3A_193 : memref<8x16x128xf32, #tpu.memory_space<hbm>>) dst(%arg8 : memref<8x16x128xf32, #tpu.memory_space<vmem>>)
          } else {
          }
          %add3A_172 = arith.constant 3 : i32
          %add3A_173 = arith.addi %add3A_127, %add3A_172 : i32
          %mul3A_174 = arith.constant 8 : i32
          %mul3A_175 = arith.muli %add3A_173, %mul3A_174 : i32
          %get3A_176 = arith.index_cast %mul3A_175 : i32 to index
          %get3A_177 = tpu.vector_load %arg5[%get3A_176] {strides = array<i32>} : memref<528xi32, #tpu.memory_space<vmem>>, vector<16xi32>,
          %get3A_178 = vector.shape_cast %get3A_177 : vector<16xi32> to vector<16xi32>
          %slice3A_179 = vector.extract_strided_slice %get3A_178 {offsets = [0], sizes = [1], strides = [1]} : vector<16xi32> to vector<1xi32>
          %squeeze3A_180 = vector.extract %slice3A_179[0] : i32 from vector<1xi32>
          %ne3A_181 = arith.constant 8192 : i32
          %ne3A_182 = arith.cmpi ne, %squeeze3A_180, %ne3A_181 : i32
          %convert_element_type3A_183 = arith.extui %ne3A_182 : i1 to i32
          %cond3A_184 = arith.constant 0 : i32
          %cond3A_185 = arith.cmpi ne, %convert_element_type3A_183, %cond3A_184 : i32
          scf.if %cond3A_185 {
            %mul3A_186 = arith.constant 8 : i32
            %mul3A_187 = arith.muli %add3A_173, %mul3A_186 : i32
            %dma_start3A = tpu.memref_slice %arg5[%mul3A_187] : memref<528xi32, #tpu.memory_space<vmem>> -> memref<8xi32, #tpu.memory_space<vmem>>
            %dma_start3A_188 = arith.constant 0 : i32
            %dma_start3A_189 = arith.constant 0 : i32
            %dma_start3A_190 = arith.constant 0 : i32
            %dma_start3A_191 = tpu.memref_slice %arg2[%dma_start3A_188, %dma_start3A_189, %dma_start3A_190] : memref<8704x16x128xf32, #tpu.memory_space<hbm>> -> memref<8704x16x128xf32, #tpu.memory_space<hbm>>
            tpu.enqueue_indirect_dma source(%dma_start3A_191 : memref<8704x16x128xf32, #tpu.memory_space<hbm>>) target(%arg8 : memref<8x16x128xf32, #tpu.memory_space<vmem>>) offsets(%dma_start3A : memref<8xi32, #tpu.memory_space<vmem>>) semaphore(%arg15 : memref<!tpu.dma_semaphore, #tpu.memory_space<semaphore_mem>>)
          } else {
          }
        } else {
        }
      } else {
      }
    }
    %scan3A_31 = arith.constant 11 : i32
    %dma_wait3A = arith.constant 0 : i32
    %dma_wait3A_32 = arith.constant 0 : i32
    %dma_wait3A_33 = arith.constant 0 : i32
    %dma_wait3A_34 = tpu.memref_slice %arg2[%dma_wait3A, %dma_wait3A_32, %dma_wait3A_33] : memref<8704x16x128xf32, #tpu.memory_space<hbm>> -> memref<8x16x128xf32, #tpu.memory_space<hbm>>
    %dma_wait3A_35 = arith.constant 0 : i32
    %dma_wait3A_36 = arith.constant 0 : i32
    %dma_wait3A_37 = arith.constant 0 : i32
    %dma_wait3A_38 = tpu.memref_slice %arg2[%dma_wait3A_35, %dma_wait3A_36, %dma_wait3A_37] : memref<8704x16x128xf32, #tpu.memory_space<hbm>> -> memref<8x16x128xf32, #tpu.memory_space<hbm>>
    tpu.wait_dma2 semaphore(%arg23 : memref<!tpu.dma_semaphore, #tpu.memory_space<semaphore_mem>>) src(%dma_wait3A_38 : memref<8x16x128xf32, #tpu.memory_space<hbm>>) dst(%arg10 : memref<8x16x128xf32, #tpu.memory_space<vmem>>)
    %dma_wait3A_39 = arith.constant 0 : i32
    %dma_wait3A_40 = arith.constant 0 : i32
    %dma_wait3A_41 = arith.constant 0 : i32
    %dma_wait3A_42 = tpu.memref_slice %arg2[%dma_wait3A_39, %dma_wait3A_40, %dma_wait3A_41] : memref<8704x16x128xf32, #tpu.memory_space<hbm>> -> memref<8x16x128xf32, #tpu.memory_space<hbm>>
    %dma_wait3A_43 = arith.constant 0 : i32
    %dma_wait3A_44 = arith.constant 0 : i32
    %dma_wait3A_45 = arith.constant 0 : i32
    %dma_wait3A_46 = tpu.memref_slice %arg2[%dma_wait3A_43, %dma_wait3A_44, %dma_wait3A_45] : memref<8704x16x128xf32, #tpu.memory_space<hbm>> -> memref<8x16x128xf32, #tpu.memory_space<hbm>>
    tpu.wait_dma2 semaphore(%arg24 : memref<!tpu.dma_semaphore, #tpu.memory_space<semaphore_mem>>) src(%dma_wait3A_46 : memref<8x16x128xf32, #tpu.memory_space<hbm>>) dst(%arg11 : memref<8x16x128xf32, #tpu.memory_space<vmem>>)
    %dma_wait3A_47 = arith.constant 0 : i32
    %dma_wait3A_48 = arith.constant 0 : i32
    %dma_wait3A_49 = arith.constant 0 : i32
    %dma_wait3A_50 = tpu.memref_slice %arg2[%dma_wait3A_47, %dma_wait3A_48, %dma_wait3A_49] : memref<8704x16x128xf32, #tpu.memory_space<hbm>> -> memref<8x16x128xf32, #tpu.memory_space<hbm>>
    %dma_wait3A_51 = arith.constant 0 : i32
    %dma_wait3A_52 = arith.constant 0 : i32
    %dma_wait3A_53 = arith.constant 0 : i32
    %dma_wait3A_54 = tpu.memref_slice %arg2[%dma_wait3A_51, %dma_wait3A_52, %dma_wait3A_53] : memref<8704x16x128xf32, #tpu.memory_space<hbm>> -> memref<8x16x128xf32, #tpu.memory_space<hbm>>
    tpu.wait_dma2 semaphore(%arg19 : memref<!tpu.dma_semaphore, #tpu.memory_space<semaphore_mem>>) src(%dma_wait3A_54 : memref<8x16x128xf32, #tpu.memory_space<hbm>>) dst(%arg6 : memref<8x16x128xf32, #tpu.memory_space<vmem>>)
    %dma_wait3A_55 = arith.constant 0 : i32
    %dma_wait3A_56 = arith.constant 0 : i32
    %dma_wait3A_57 = arith.constant 0 : i32
    %dma_wait3A_58 = tpu.memref_slice %arg2[%dma_wait3A_55, %dma_wait3A_56, %dma_wait3A_57] : memref<8704x16x128xf32, #tpu.memory_space<hbm>> -> memref<8x16x128xf32, #tpu.memory_space<hbm>>
    %dma_wait3A_59 = arith.constant 0 : i32
    %dma_wait3A_60 = arith.constant 0 : i32
    %dma_wait3A_61 = arith.constant 0 : i32
    %dma_wait3A_62 = tpu.memref_slice %arg2[%dma_wait3A_59, %dma_wait3A_60, %dma_wait3A_61] : memref<8704x16x128xf32, #tpu.memory_space<hbm>> -> memref<8x16x128xf32, #tpu.memory_space<hbm>>
    tpu.wait_dma2 semaphore(%arg20 : memref<!tpu.dma_semaphore, #tpu.memory_space<semaphore_mem>>) src(%dma_wait3A_62 : memref<8x16x128xf32, #tpu.memory_space<hbm>>) dst(%arg7 : memref<8x16x128xf32, #tpu.memory_space<vmem>>)
    %dma_wait3A_63 = arith.constant 0 : i32
    %dma_wait3A_64 = arith.constant 0 : i32
    %dma_wait3A_65 = arith.constant 0 : i32
    %dma_wait3A_66 = tpu.memref_slice %arg2[%dma_wait3A_63, %dma_wait3A_64, %dma_wait3A_65] : memref<8704x16x128xf32, #tpu.memory_space<hbm>> -> memref<8x16x128xf32, #tpu.memory_space<hbm>>
    %dma_wait3A_67 = arith.constant 0 : i32
    %dma_wait3A_68 = arith.constant 0 : i32
    %dma_wait3A_69 = arith.constant 0 : i32
    %dma_wait3A_70 = tpu.memref_slice %arg2[%dma_wait3A_67, %dma_wait3A_68, %dma_wait3A_69] : memref<8704x16x128xf32, #tpu.memory_space<hbm>> -> memref<8x16x128xf32, #tpu.memory_space<hbm>>
    tpu.wait_dma2 semaphore(%arg21 : memref<!tpu.dma_semaphore, #tpu.memory_space<semaphore_mem>>) src(%dma_wait3A_70 : memref<8x16x128xf32, #tpu.memory_space<hbm>>) dst(%arg8 : memref<8x16x128xf32, #tpu.memory_space<vmem>>)
    %dma_wait3A_71 = arith.constant 0 : i32
    %dma_wait3A_72 = arith.constant 0 : i32
    %dma_wait3A_73 = arith.constant 0 : i32
    %dma_wait3A_74 = tpu.memref_slice %arg2[%dma_wait3A_71, %dma_wait3A_72, %dma_wait3A_73] : memref<8704x16x128xf32, #tpu.memory_space<hbm>> -> memref<8x16x128xf32, #tpu.memory_space<hbm>>
    %dma_wait3A_75 = arith.constant 0 : i32
    %dma_wait3A_76 = arith.constant 0 : i32
    %dma_wait3A_77 = arith.constant 0 : i32
    %dma_wait3A_78 = tpu.memref_slice %arg2[%dma_wait3A_75, %dma_wait3A_76, %dma_wait3A_77] : memref<8704x16x128xf32, #tpu.memory_space<hbm>> -> memref<8x16x128xf32, #tpu.memory_space<hbm>>
    tpu.wait_dma2 semaphore(%arg22 : memref<!tpu.dma_semaphore, #tpu.memory_space<semaphore_mem>>) src(%dma_wait3A_78 : memref<8x16x128xf32, #tpu.memory_space<hbm>>) dst(%arg9 : memref<8x16x128xf32, #tpu.memory_space<vmem>>)
    return
  }
}

module attributes {stable_mosaic.version = 14 : i64} {
  func.func @_routing_body(%arg0: i32, %arg1: memref<4096x64xf32, #tpu.memory_space<vmem>>, %arg2: memref<1x1x256xi32, #tpu.memory_space<vmem>>, %arg3: memref<4096x128xf32, #tpu.memory_space<vmem>>, %arg4: memref<4096x128xf32, #tpu.memory_space<vmem>>, %arg5: memref<4096x64xf32, #tpu.memory_space<vmem>>, %arg6: memref<4096x64xi32, #tpu.memory_space<vmem>>) attributes {dimension_semantics = [#tpu.dimension_semantics<arbitrary>], iteration_bounds = array<i64: 64>, scalar_prefetch = 0 : i64, scratch_operands = 2 : i64, tpu.core_type = #tpu.core_type<tc>, window_params = [{pipeline_mode = #tpu.pipeline_mode<synchronous>, transform_indices = @transform_0, window_bounds = array<i64: 4096, 64>}, {transform_indices = @transform_1, window_bounds = array<i64: 1, 1, 256>}, {pipeline_mode = #tpu.pipeline_mode<synchronous>, transform_indices = @transform_2, window_bounds = array<i64: 4096, 128>}, {pipeline_mode = #tpu.pipeline_mode<synchronous>, transform_indices = @transform_3, window_bounds = array<i64: 4096, 128>}]} {
    %eq3A = arith.constant 0 : i32
    %eq3A_0 = arith.cmpi eq, %arg0, %eq3A : i32
    %convert_element_type3A = arith.extui %eq3A_0 : i1 to i32
    %cond3A = arith.constant 0 : i32
    %cond3A_1 = arith.cmpi ne, %convert_element_type3A, %cond3A : i32
    scf.if %cond3A_1 {
      %get3A_62 = arith.constant 0 : index
      %get3A_63 = arith.constant 0 : index
      %get3A_64 = vector.load %arg1[%get3A_62, %get3A_63] : memref<4096x64xf32, #tpu.memory_space<vmem>>, vector<4096x64xf32>
      %reduce_max3A = arith.constant dense<0xFF800000> : vector<4096xf32>
      %reduce_max3A_65 = vector.multi_reduction <maximumf>, %get3A_64, %reduce_max3A [1] : vector<4096x64xf32> to vector<4096xf32>
      %broadcast_in_dim3A_66 = vector.shape_cast %reduce_max3A_65 : vector<4096xf32> to vector<4096x1xf32>
      %sub3A_67 = vector.broadcast %broadcast_in_dim3A_66 : vector<4096x1xf32> to vector<4096x64xf32>
      %sub3A_68 = arith.subf %get3A_64, %sub3A_67 : vector<4096x64xf32>
      %exp3A = math.exp %sub3A_68 : vector<4096x64xf32>
      %reduce_sum3A_69 = arith.constant dense<0.000000e+00> : vector<4096xf32>
      %reduce_sum3A_70 = vector.multi_reduction <add>, %exp3A, %reduce_sum3A_69 [1] : vector<4096x64xf32> to vector<4096xf32>
      %broadcast_in_dim3A_71 = vector.shape_cast %reduce_sum3A_70 : vector<4096xf32> to vector<4096x1xf32>
      %div3A_72 = vector.broadcast %broadcast_in_dim3A_71 : vector<4096x1xf32> to vector<4096x64xf32>
      %div3A_73 = arith.divf %exp3A, %div3A_72 : vector<4096x64xf32>
      %swap3A_74 = arith.constant 0 : index
      %swap3A_75 = arith.constant 0 : index
      %swap3A_76 = vector.load %arg5[%swap3A_74, %swap3A_75] : memref<4096x64xf32, #tpu.memory_space<vmem>>, vector<4096x64xf32>
      tpu.vector_store %arg5[%swap3A_74, %swap3A_75], %div3A_73 {strides = array<i32>} : memref<4096x64xf32, #tpu.memory_space<vmem>>, vector<4096x64xf32>,
      %iota3A_77 = tpu.iota {dimensions = array<i32: 1>} : vector<4096x64xi32>
      %reduce_max3A_78 = arith.constant dense<0xFF800000> : vector<4096xf32>
      %reduce_max3A_79 = vector.multi_reduction <maximumf>, %div3A_73, %reduce_max3A_78 [1] : vector<4096x64xf32> to vector<4096xf32>
      %broadcast_in_dim3A_80 = vector.shape_cast %reduce_max3A_79 : vector<4096xf32> to vector<4096x1xf32>
      %eq3A_81 = vector.broadcast %broadcast_in_dim3A_80 : vector<4096x1xf32> to vector<4096x64xf32>
      %eq3A_82 = arith.cmpf oeq, %div3A_73, %eq3A_81 : vector<4096x64xf32>
      %jit3A_83 = arith.constant 64 : i32
      %broadcast_in_dim3A_84 = vector.broadcast %jit3A_83 : i32 to vector<4096x64xi32>
      %select_n3A_85 = arith.select %eq3A_82, %iota3A_77, %broadcast_in_dim3A_84 : vector<4096x64xi1>, vector<4096x64xi32>
      %reduce_min3A = arith.constant dense<2147483647> : vector<4096xi32>
      %reduce_min3A_86 = vector.multi_reduction <minsi>, %select_n3A_85, %reduce_min3A [1] : vector<4096x64xi32> to vector<4096xi32>
      %broadcast_in_dim3A_87 = vector.shape_cast %reduce_min3A_86 : vector<4096xi32> to vector<4096x1xi32>
      %eq3A_88 = vector.broadcast %broadcast_in_dim3A_87 : vector<4096x1xi32> to vector<4096x64xi32>
      %eq3A_89 = arith.cmpi eq, %iota3A_77, %eq3A_88 : vector<4096x64xi32>
      %jit3A_90 = arith.constant 0xFF800000 : f32
      %broadcast_in_dim3A_91 = vector.broadcast %jit3A_90 : f32 to vector<4096x64xf32>
      %select_n3A_92 = arith.select %eq3A_89, %broadcast_in_dim3A_91, %div3A_73 : vector<4096x64xi1>, vector<4096x64xf32>
      %reduce_max3A_93 = arith.constant dense<0xFF800000> : vector<4096xf32>
      %reduce_max3A_94 = vector.multi_reduction <maximumf>, %select_n3A_92, %reduce_max3A_93 [1] : vector<4096x64xf32> to vector<4096xf32>
      %broadcast_in_dim3A_95 = vector.shape_cast %reduce_max3A_94 : vector<4096xf32> to vector<4096x1xf32>
      %eq3A_96 = vector.broadcast %broadcast_in_dim3A_95 : vector<4096x1xf32> to vector<4096x64xf32>
      %eq3A_97 = arith.cmpf oeq, %select_n3A_92, %eq3A_96 : vector<4096x64xf32>
      %jit3A_98 = arith.constant 64 : i32
      %broadcast_in_dim3A_99 = vector.broadcast %jit3A_98 : i32 to vector<4096x64xi32>
      %select_n3A_100 = arith.select %eq3A_97, %iota3A_77, %broadcast_in_dim3A_99 : vector<4096x64xi1>, vector<4096x64xi32>
      %reduce_min3A_101 = arith.constant dense<2147483647> : vector<4096xi32>
      %reduce_min3A_102 = vector.multi_reduction <minsi>, %select_n3A_100, %reduce_min3A_101 [1] : vector<4096x64xi32> to vector<4096xi32>
      %broadcast_in_dim3A_103 = vector.shape_cast %reduce_min3A_102 : vector<4096xi32> to vector<4096x1xi32>
      %eq3A_104 = vector.broadcast %broadcast_in_dim3A_103 : vector<4096x1xi32> to vector<4096x64xi32>
      %eq3A_105 = arith.cmpi eq, %iota3A_77, %eq3A_104 : vector<4096x64xi32>
      %convert_element_type3A_106 = arith.extui %eq3A_105 : vector<4096x64xi1> to vector<4096x64xi32>
      %eq3A_107 = vector.broadcast %broadcast_in_dim3A_87 : vector<4096x1xi32> to vector<4096x64xi32>
      %eq3A_108 = arith.cmpi eq, %iota3A_77, %eq3A_107 : vector<4096x64xi32>
      %convert_element_type3A_109 = arith.extui %eq3A_108 : vector<4096x64xi1> to vector<4096x64xi32>
      %add3A_110 = arith.addi %convert_element_type3A_109, %convert_element_type3A_106 : vector<4096x64xi32>
      %broadcast_in_dim3A_111 = arith.constant 0 : i32
      %broadcast_in_dim3A_112 = vector.broadcast %broadcast_in_dim3A_111 : i32 to vector<1x64xi32>
      %slice3A = vector.extract_strided_slice %add3A_110 {offsets = [0, 0], sizes = [4095, 64], strides = [1, 1]} : vector<4096x64xi32> to vector<4095x64xi32>
      %concatenate3A = tpu.concatenate %broadcast_in_dim3A_112, %slice3A in 0 : vector<1x64xi32>, vector<4095x64xi32> -> vector<4096x64xi32>
      %add3A_113 = arith.addi %add3A_110, %concatenate3A : vector<4096x64xi32>
      %broadcast_in_dim3A_114 = arith.constant 0 : i32
      %broadcast_in_dim3A_115 = vector.broadcast %broadcast_in_dim3A_114 : i32 to vector<2x64xi32>
      %slice3A_116 = vector.extract_strided_slice %add3A_113 {offsets = [0, 0], sizes = [4094, 64], strides = [1, 1]} : vector<4096x64xi32> to vector<4094x64xi32>
      %concatenate3A_117 = tpu.concatenate %broadcast_in_dim3A_115, %slice3A_116 in 0 : vector<2x64xi32>, vector<4094x64xi32> -> vector<4096x64xi32>
      %add3A_118 = arith.addi %add3A_113, %concatenate3A_117 : vector<4096x64xi32>
      %broadcast_in_dim3A_119 = arith.constant 0 : i32
      %broadcast_in_dim3A_120 = vector.broadcast %broadcast_in_dim3A_119 : i32 to vector<4x64xi32>
      %slice3A_121 = vector.extract_strided_slice %add3A_118 {offsets = [0, 0], sizes = [4092, 64], strides = [1, 1]} : vector<4096x64xi32> to vector<4092x64xi32>
      %concatenate3A_122 = tpu.concatenate %broadcast_in_dim3A_120, %slice3A_121 in 0 : vector<4x64xi32>, vector<4092x64xi32> -> vector<4096x64xi32>
      %add3A_123 = arith.addi %add3A_118, %concatenate3A_122 : vector<4096x64xi32>
      %broadcast_in_dim3A_124 = arith.constant 0 : i32
      %broadcast_in_dim3A_125 = vector.broadcast %broadcast_in_dim3A_124 : i32 to vector<8x64xi32>
      %slice3A_126 = vector.extract_strided_slice %add3A_123 {offsets = [0, 0], sizes = [4088, 64], strides = [1, 1]} : vector<4096x64xi32> to vector<4088x64xi32>
      %concatenate3A_127 = tpu.concatenate %broadcast_in_dim3A_125, %slice3A_126 in 0 : vector<8x64xi32>, vector<4088x64xi32> -> vector<4096x64xi32>
      %add3A_128 = arith.addi %add3A_123, %concatenate3A_127 : vector<4096x64xi32>
      %broadcast_in_dim3A_129 = arith.constant 0 : i32
      %broadcast_in_dim3A_130 = vector.broadcast %broadcast_in_dim3A_129 : i32 to vector<16x64xi32>
      %slice3A_131 = vector.extract_strided_slice %add3A_128 {offsets = [0, 0], sizes = [4080, 64], strides = [1, 1]} : vector<4096x64xi32> to vector<4080x64xi32>
      %concatenate3A_132 = tpu.concatenate %broadcast_in_dim3A_130, %slice3A_131 in 0 : vector<16x64xi32>, vector<4080x64xi32> -> vector<4096x64xi32>
      %add3A_133 = arith.addi %add3A_128, %concatenate3A_132 : vector<4096x64xi32>
      %broadcast_in_dim3A_134 = arith.constant 0 : i32
      %broadcast_in_dim3A_135 = vector.broadcast %broadcast_in_dim3A_134 : i32 to vector<32x64xi32>
      %slice3A_136 = vector.extract_strided_slice %add3A_133 {offsets = [0, 0], sizes = [4064, 64], strides = [1, 1]} : vector<4096x64xi32> to vector<4064x64xi32>
      %concatenate3A_137 = tpu.concatenate %broadcast_in_dim3A_135, %slice3A_136 in 0 : vector<32x64xi32>, vector<4064x64xi32> -> vector<4096x64xi32>
      %add3A_138 = arith.addi %add3A_133, %concatenate3A_137 : vector<4096x64xi32>
      %broadcast_in_dim3A_139 = arith.constant 0 : i32
      %broadcast_in_dim3A_140 = vector.broadcast %broadcast_in_dim3A_139 : i32 to vector<64x64xi32>
      %slice3A_141 = vector.extract_strided_slice %add3A_138 {offsets = [0, 0], sizes = [4032, 64], strides = [1, 1]} : vector<4096x64xi32> to vector<4032x64xi32>
      %concatenate3A_142 = tpu.concatenate %broadcast_in_dim3A_140, %slice3A_141 in 0 : vector<64x64xi32>, vector<4032x64xi32> -> vector<4096x64xi32>
      %add3A_143 = arith.addi %add3A_138, %concatenate3A_142 : vector<4096x64xi32>
      %broadcast_in_dim3A_144 = arith.constant 0 : i32
      %broadcast_in_dim3A_145 = vector.broadcast %broadcast_in_dim3A_144 : i32 to vector<128x64xi32>
      %slice3A_146 = vector.extract_strided_slice %add3A_143 {offsets = [0, 0], sizes = [3968, 64], strides = [1, 1]} : vector<4096x64xi32> to vector<3968x64xi32>
      %concatenate3A_147 = tpu.concatenate %broadcast_in_dim3A_145, %slice3A_146 in 0 : vector<128x64xi32>, vector<3968x64xi32> -> vector<4096x64xi32>
      %add3A_148 = arith.addi %add3A_143, %concatenate3A_147 : vector<4096x64xi32>
      %broadcast_in_dim3A_149 = arith.constant 0 : i32
      %broadcast_in_dim3A_150 = vector.broadcast %broadcast_in_dim3A_149 : i32 to vector<256x64xi32>
      %slice3A_151 = vector.extract_strided_slice %add3A_148 {offsets = [0, 0], sizes = [3840, 64], strides = [1, 1]} : vector<4096x64xi32> to vector<3840x64xi32>
      %concatenate3A_152 = tpu.concatenate %broadcast_in_dim3A_150, %slice3A_151 in 0 : vector<256x64xi32>, vector<3840x64xi32> -> vector<4096x64xi32>
      %add3A_153 = arith.addi %add3A_148, %concatenate3A_152 : vector<4096x64xi32>
      %broadcast_in_dim3A_154 = arith.constant 0 : i32
      %broadcast_in_dim3A_155 = vector.broadcast %broadcast_in_dim3A_154 : i32 to vector<512x64xi32>
      %slice3A_156 = vector.extract_strided_slice %add3A_153 {offsets = [0, 0], sizes = [3584, 64], strides = [1, 1]} : vector<4096x64xi32> to vector<3584x64xi32>
      %concatenate3A_157 = tpu.concatenate %broadcast_in_dim3A_155, %slice3A_156 in 0 : vector<512x64xi32>, vector<3584x64xi32> -> vector<4096x64xi32>
      %add3A_158 = arith.addi %add3A_153, %concatenate3A_157 : vector<4096x64xi32>
      %broadcast_in_dim3A_159 = arith.constant 0 : i32
      %broadcast_in_dim3A_160 = vector.broadcast %broadcast_in_dim3A_159 : i32 to vector<1024x64xi32>
      %slice3A_161 = vector.extract_strided_slice %add3A_158 {offsets = [0, 0], sizes = [3072, 64], strides = [1, 1]} : vector<4096x64xi32> to vector<3072x64xi32>
      %concatenate3A_162 = tpu.concatenate %broadcast_in_dim3A_160, %slice3A_161 in 0 : vector<1024x64xi32>, vector<3072x64xi32> -> vector<4096x64xi32>
      %add3A_163 = arith.addi %add3A_158, %concatenate3A_162 : vector<4096x64xi32>
      %broadcast_in_dim3A_164 = arith.constant 0 : i32
      %broadcast_in_dim3A_165 = vector.broadcast %broadcast_in_dim3A_164 : i32 to vector<2048x64xi32>
      %slice3A_166 = vector.extract_strided_slice %add3A_163 {offsets = [0, 0], sizes = [2048, 64], strides = [1, 1]} : vector<4096x64xi32> to vector<2048x64xi32>
      %concatenate3A_167 = tpu.concatenate %broadcast_in_dim3A_165, %slice3A_166 in 0 : vector<2048x64xi32>, vector<2048x64xi32> -> vector<4096x64xi32>
      %add3A_168 = arith.addi %add3A_163, %concatenate3A_167 : vector<4096x64xi32>
      %mul3A_169 = arith.muli %add3A_168, %add3A_110 : vector<4096x64xi32>
      %mul3A_170 = arith.constant 16384 : i32
      %mul3A_171 = vector.broadcast %mul3A_170 : i32 to vector<4096x64xi32>
      %mul3A_172 = arith.muli %mul3A_171, %convert_element_type3A_106 : vector<4096x64xi32>
      %add3A_173 = arith.addi %mul3A_169, %mul3A_172 : vector<4096x64xi32>
      %swap3A_174 = arith.constant 0 : index
      %swap3A_175 = arith.constant 0 : index
      %swap3A_176 = vector.load %arg6[%swap3A_174, %swap3A_175] : memref<4096x64xi32, #tpu.memory_space<vmem>>, vector<4096x64xi32>
      tpu.vector_store %arg6[%swap3A_174, %swap3A_175], %add3A_173 {strides = array<i32>} : memref<4096x64xi32, #tpu.memory_space<vmem>>, vector<4096x64xi32>,
      %broadcast_in_dim3A_177 = vector.shape_cast %broadcast_in_dim3A_80 : vector<4096x1xf32> to vector<4096x1xf32>
      %broadcast_in_dim3A_178 = vector.broadcast %broadcast_in_dim3A_177 : vector<4096x1xf32> to vector<4096x128xf32>
      %swap3A_179 = arith.constant 0 : index
      %swap3A_180 = arith.constant 0 : index
      %swap3A_181 = vector.load %arg3[%swap3A_179, %swap3A_180] : memref<4096x128xf32, #tpu.memory_space<vmem>>, vector<4096x128xf32>
      tpu.vector_store %arg3[%swap3A_179, %swap3A_180], %broadcast_in_dim3A_178 {strides = array<i32>} : memref<4096x128xf32, #tpu.memory_space<vmem>>, vector<4096x128xf32>,
      %broadcast_in_dim3A_182 = vector.shape_cast %broadcast_in_dim3A_95 : vector<4096x1xf32> to vector<4096x1xf32>
      %broadcast_in_dim3A_183 = vector.broadcast %broadcast_in_dim3A_182 : vector<4096x1xf32> to vector<4096x128xf32>
      %swap3A_184 = arith.constant 0 : index
      %swap3A_185 = arith.constant 0 : index
      %swap3A_186 = vector.load %arg4[%swap3A_184, %swap3A_185] : memref<4096x128xf32, #tpu.memory_space<vmem>>, vector<4096x128xf32>
      tpu.vector_store %arg4[%swap3A_184, %swap3A_185], %broadcast_in_dim3A_183 {strides = array<i32>} : memref<4096x128xf32, #tpu.memory_space<vmem>>, vector<4096x128xf32>,
    } else {
    }
    %iota3A = tpu.iota {dimensions = array<i32: 1>} : vector<4096x64xi32>
    %eq3A_2 = vector.broadcast %arg0 : i32 to vector<4096x64xi32>
    %eq3A_3 = arith.cmpi eq, %iota3A, %eq3A_2 : vector<4096x64xi32>
    %get3A = arith.constant 0 : index
    %get3A_4 = arith.constant 0 : index
    %get3A_5 = vector.load %arg6[%get3A, %get3A_4] : memref<4096x64xi32, #tpu.memory_space<vmem>>, vector<4096x64xi32>
    %jit3A = arith.constant 0 : i32
    %broadcast_in_dim3A = vector.broadcast %jit3A : i32 to vector<4096x64xi32>
    %select_n3A = arith.select %eq3A_3, %get3A_5, %broadcast_in_dim3A : vector<4096x64xi1>, vector<4096x64xi32>
    %reduce_sum3A = arith.constant dense<0> : vector<4096xi32>
    %reduce_sum3A_6 = vector.multi_reduction <add>, %select_n3A, %reduce_sum3A [1] : vector<4096x64xi32> to vector<4096xi32>
    %jit3A_7 = arith.constant 16384 : i32
    %div3A = vector.broadcast %jit3A_7 : i32 to vector<4096xi32>
    %div3A_8 = arith.divsi %reduce_sum3A_6, %div3A : vector<4096xi32>
    %sign3A = arith.constant 0 : i32
    %sign3A_9 = vector.broadcast %sign3A : i32 to vector<4096xi32>
    %sign3A_10 = arith.cmpi sgt, %reduce_sum3A_6, %sign3A_9 : vector<4096xi32>
    %sign3A_11 = arith.extui %sign3A_10 : vector<4096xi1> to vector<4096xi32>
    %sign3A_12 = arith.constant 0 : i32
    %sign3A_13 = vector.broadcast %sign3A_12 : i32 to vector<4096xi32>
    %sign3A_14 = arith.cmpi slt, %reduce_sum3A_6, %sign3A_13 : vector<4096xi32>
    %sign3A_15 = arith.extui %sign3A_14 : vector<4096xi1> to vector<4096xi32>
    %sign3A_16 = arith.subi %sign3A_11, %sign3A_15 : vector<4096xi32>
    %sign3A_17 = arith.constant 0 : i32
    %sign3A_18 = arith.cmpi sgt, %jit3A_7, %sign3A_17 : i32
    %sign3A_19 = arith.extui %sign3A_18 : i1 to i32
    %sign3A_20 = arith.constant 0 : i32
    %sign3A_21 = arith.cmpi slt, %jit3A_7, %sign3A_20 : i32
    %sign3A_22 = arith.extui %sign3A_21 : i1 to i32
    %sign3A_23 = arith.subi %sign3A_19, %sign3A_22 : i32
    %ne3A = vector.broadcast %sign3A_23 : i32 to vector<4096xi32>
    %ne3A_24 = arith.cmpi ne, %sign3A_16, %ne3A : vector<4096xi32>
    %rem3A = vector.broadcast %jit3A_7 : i32 to vector<4096xi32>
    %rem3A_25 = arith.remsi %reduce_sum3A_6, %rem3A : vector<4096xi32>
    %ne3A_26 = arith.constant 0 : i32
    %ne3A_27 = vector.broadcast %ne3A_26 : i32 to vector<4096xi32>
    %ne3A_28 = arith.cmpi ne, %rem3A_25, %ne3A_27 : vector<4096xi32>
    %and3A = arith.andi %ne3A_24, %ne3A_28 : vector<4096xi1>
    %sub3A = arith.constant 1 : i32
    %sub3A_29 = vector.broadcast %sub3A : i32 to vector<4096xi32>
    %sub3A_30 = arith.subi %div3A_8, %sub3A_29 : vector<4096xi32>
    %select_n3A_31 = arith.select %and3A, %sub3A_30, %div3A_8 : vector<4096xi1>, vector<4096xi32>
    %mul3A = arith.constant 16384 : i32
    %mul3A_32 = vector.broadcast %mul3A : i32 to vector<4096xi32>
    %mul3A_33 = arith.muli %select_n3A_31, %mul3A_32 : vector<4096xi32>
    %sub3A_34 = arith.subi %reduce_sum3A_6, %mul3A_33 : vector<4096xi32>
    %iota3A_35 = tpu.iota {dimensions = array<i32: 1>} : vector<4096x256xi32>
    %add3A = arith.constant 1 : i32
    %add3A_36 = vector.broadcast %add3A : i32 to vector<4096x256xi32>
    %add3A_37 = arith.addi %iota3A_35, %add3A_36 : vector<4096x256xi32>
    %broadcast_in_dim3A_38 = vector.shape_cast %sub3A_34 : vector<4096xi32> to vector<4096x1xi32>
    %eq3A_39 = vector.broadcast %broadcast_in_dim3A_38 : vector<4096x1xi32> to vector<4096x256xi32>
    %eq3A_40 = arith.cmpi eq, %add3A_37, %eq3A_39 : vector<4096x256xi32>
    %iota3A_41 = tpu.iota {dimensions = array<i32: 0>} : vector<4096x256xi32>
    %broadcast_in_dim3A_42 = vector.shape_cast %select_n3A_31 : vector<4096xi32> to vector<4096x1xi32>
    %mul3A_43 = arith.constant 4096 : i32
    %mul3A_44 = vector.broadcast %mul3A_43 : i32 to vector<4096x1xi32>
    %mul3A_45 = arith.muli %mul3A_44, %broadcast_in_dim3A_42 : vector<4096x1xi32>
    %add3A_46 = vector.broadcast %mul3A_45 : vector<4096x1xi32> to vector<4096x256xi32>
    %add3A_47 = arith.addi %iota3A_41, %add3A_46 : vector<4096x256xi32>
    %sub3A_48 = arith.constant 8192 : i32
    %sub3A_49 = vector.broadcast %sub3A_48 : i32 to vector<4096x256xi32>
    %sub3A_50 = arith.subi %add3A_47, %sub3A_49 : vector<4096x256xi32>
    %jit3A_51 = arith.constant 0 : i32
    %broadcast_in_dim3A_52 = vector.broadcast %jit3A_51 : i32 to vector<4096x256xi32>
    %select_n3A_53 = arith.select %eq3A_40, %sub3A_50, %broadcast_in_dim3A_52 : vector<4096x256xi1>, vector<4096x256xi32>
    %reduce_sum3A_54 = arith.constant dense<0> : vector<256xi32>
    %reduce_sum3A_55 = vector.multi_reduction <add>, %select_n3A_53, %reduce_sum3A_54 [0] : vector<4096x256xi32> to vector<256xi32>
    %add3A_56 = arith.constant 8192 : i32
    %add3A_57 = vector.broadcast %add3A_56 : i32 to vector<256xi32>
    %add3A_58 = arith.addi %reduce_sum3A_55, %add3A_57 : vector<256xi32>
    %reshape3A = vector.shape_cast %add3A_58 : vector<256xi32> to vector<1x1x256xi32>
    %swap3A = arith.constant 0 : index
    %swap3A_59 = arith.constant 0 : index
    %swap3A_60 = arith.constant 0 : index
    %swap3A_61 = vector.load %arg2[%swap3A, %swap3A_59, %swap3A_60] : memref<1x1x256xi32, #tpu.memory_space<vmem>>, vector<1x1x256xi32>
    tpu.vector_store %arg2[%swap3A, %swap3A_59, %swap3A_60], %reshape3A {strides = array<i32>} : memref<1x1x256xi32, #tpu.memory_space<vmem>>, vector<1x1x256xi32>,
    return
  }
  func.func @transform_0(%arg0: i32) -> (i32, i32) {
    %c0_i32 = arith.constant 0 : i32
    %c0_i32_0 = arith.constant 0 : i32
    %c0_i32_1 = arith.constant 0 : i32
    return %c0_i32, %c0_i32_0 : i32, i32
  }
  func.func @transform_1(%arg0: i32) -> (i32, i32, i32) {
    %c0_i32 = arith.constant 0 : i32
    %c0_i32_0 = arith.constant 0 : i32
    %c0_i32_1 = arith.constant 0 : i32
    return %arg0, %c0_i32, %c0_i32_0 : i32, i32, i32
  }
  func.func @transform_2(%arg0: i32) -> (i32, i32) {
    %c0_i32 = arith.constant 0 : i32
    %c0_i32_0 = arith.constant 0 : i32
    %c0_i32_1 = arith.constant 0 : i32
    return %c0_i32, %c0_i32_0 : i32, i32
  }
  func.func @transform_3(%arg0: i32) -> (i32, i32) {
    %c0_i32 = arith.constant 0 : i32
    %c0_i32_0 = arith.constant 0 : i32
    %c0_i32_1 = arith.constant 0 : i32
    return %c0_i32, %c0_i32_0 : i32, i32
  }
}

module attributes {stable_mosaic.version = 14 : i64} {
  func.func @_tables_body(%arg0: i32, %arg1: memref<512x2048xf32, #tpu.memory_space<vmem>>, %arg2: memref<512x128xf32, #tpu.memory_space<vmem>>, %arg3: memref<512x128xf32, #tpu.memory_space<vmem>>, %arg4: memref<512x16x128xf32, #tpu.memory_space<vmem>>) attributes {dimension_semantics = [#tpu.dimension_semantics<arbitrary>], iteration_bounds = array<i64: 17>, scalar_prefetch = 0 : i64, scratch_operands = 0 : i64, tpu.core_type = #tpu.core_type<tc>, window_params = [{transform_indices = @transform_0, window_bounds = array<i64: 512, 2048>}, {transform_indices = @transform_1, window_bounds = array<i64: 512, 128>}, {transform_indices = @transform_2, window_bounds = array<i64: 512, 128>}, {transform_indices = @transform_3, window_bounds = array<i64: 512, 16, 128>}]} {
    %get3A = arith.constant 0 : index
    %get3A_0 = arith.constant 0 : index
    %get3A_1 = vector.load %arg1[%get3A, %get3A_0] : memref<512x2048xf32, #tpu.memory_space<vmem>>, vector<512x2048xf32>
    %get3A_2 = arith.constant 0 : index
    %get3A_3 = arith.constant 0 : index
    %get3A_4 = vector.load %arg2[%get3A_2, %get3A_3] : memref<512x128xf32, #tpu.memory_space<vmem>>, vector<512x128xf32>
    %slice3A = vector.extract_strided_slice %get3A_4 {offsets = [0, 0], sizes = [512, 1], strides = [1, 1]} : vector<512x128xf32> to vector<512x1xf32>
    %get3A_5 = arith.constant 0 : index
    %get3A_6 = arith.constant 0 : index
    %get3A_7 = vector.load %arg3[%get3A_5, %get3A_6] : memref<512x128xf32, #tpu.memory_space<vmem>>, vector<512x128xf32>
    %slice3A_8 = vector.extract_strided_slice %get3A_7 {offsets = [0, 0], sizes = [512, 1], strides = [1, 1]} : vector<512x128xf32> to vector<512x1xf32>
    %lt3A = arith.constant 8 : i32
    %lt3A_9 = arith.cmpi slt, %arg0, %lt3A : i32
    %select_n3A = arith.select %lt3A_9, %slice3A, %slice3A_8 : vector<512x1xf32>
    %lt3A_10 = arith.constant 16 : i32
    %lt3A_11 = arith.cmpi slt, %arg0, %lt3A_10 : i32
    %jit3A = arith.constant 0.000000e+00 : f32
    %broadcast_in_dim3A = vector.broadcast %jit3A : f32 to vector<512x1xf32>
    %select_n3A_12 = arith.select %lt3A_11, %select_n3A, %broadcast_in_dim3A : vector<512x1xf32>
    %mul3A = vector.broadcast %select_n3A_12 : vector<512x1xf32> to vector<512x2048xf32>
    %mul3A_13 = arith.mulf %get3A_1, %mul3A : vector<512x2048xf32>
    %reshape3A = vector.shape_cast %mul3A_13 : vector<512x2048xf32> to vector<512x16x128xf32>
    %swap3A = arith.constant 0 : index
    %swap3A_14 = arith.constant 0 : index
    %swap3A_15 = arith.constant 0 : index
    %swap3A_16 = vector.load %arg4[%swap3A, %swap3A_14, %swap3A_15] : memref<512x16x128xf32, #tpu.memory_space<vmem>>, vector<512x16x128xf32>
    tpu.vector_store %arg4[%swap3A, %swap3A_14, %swap3A_15], %reshape3A {strides = array<i32>} : memref<512x16x128xf32, #tpu.memory_space<vmem>>, vector<512x16x128xf32>,
    return
  }
  func.func @transform_0(%arg0: i32) -> (i32, i32) {
    %jit3A = arith.constant 8 : i32
    %eq3A = arith.constant 0 : i32
    %eq3A_0 = arith.cmpi eq, %jit3A, %eq3A : i32
    %jit3A_1 = arith.constant 1 : i32
    %select_n3A = arith.select %eq3A_0, %jit3A_1, %jit3A : i32
    %rem3A = arith.remsi %arg0, %select_n3A : i32
    %ne3A = arith.constant 0 : i32
    %ne3A_2 = arith.cmpi ne, %rem3A, %ne3A : i32
    %lt3A = arith.constant 0 : i32
    %lt3A_3 = arith.cmpi slt, %rem3A, %lt3A : i32
    %lt3A_4 = arith.constant 0 : i32
    %lt3A_5 = arith.cmpi slt, %select_n3A, %lt3A_4 : i32
    %ne3A_6 = arith.xori %lt3A_3, %lt3A_5 : i1
    %and3A = arith.andi %ne3A_6, %ne3A_2 : i1
    %add3A = arith.addi %rem3A, %select_n3A : i32
    %select_n3A_7 = arith.select %and3A, %add3A, %rem3A : i32
    %c0_i32 = arith.constant 0 : i32
    %c0_i32_8 = arith.constant 0 : i32
    return %select_n3A_7, %c0_i32 : i32, i32
  }
  func.func @transform_1(%arg0: i32) -> (i32, i32) {
    %jit3A = arith.constant 8 : i32
    %eq3A = arith.constant 0 : i32
    %eq3A_0 = arith.cmpi eq, %jit3A, %eq3A : i32
    %jit3A_1 = arith.constant 1 : i32
    %select_n3A = arith.select %eq3A_0, %jit3A_1, %jit3A : i32
    %rem3A = arith.remsi %arg0, %select_n3A : i32
    %ne3A = arith.constant 0 : i32
    %ne3A_2 = arith.cmpi ne, %rem3A, %ne3A : i32
    %lt3A = arith.constant 0 : i32
    %lt3A_3 = arith.cmpi slt, %rem3A, %lt3A : i32
    %lt3A_4 = arith.constant 0 : i32
    %lt3A_5 = arith.cmpi slt, %select_n3A, %lt3A_4 : i32
    %ne3A_6 = arith.xori %lt3A_3, %lt3A_5 : i1
    %and3A = arith.andi %ne3A_6, %ne3A_2 : i1
    %add3A = arith.addi %rem3A, %select_n3A : i32
    %select_n3A_7 = arith.select %and3A, %add3A, %rem3A : i32
    %c0_i32 = arith.constant 0 : i32
    %c0_i32_8 = arith.constant 0 : i32
    return %select_n3A_7, %c0_i32 : i32, i32
  }
  func.func @transform_2(%arg0: i32) -> (i32, i32) {
    %jit3A = arith.constant 8 : i32
    %eq3A = arith.constant 0 : i32
    %eq3A_0 = arith.cmpi eq, %jit3A, %eq3A : i32
    %jit3A_1 = arith.constant 1 : i32
    %select_n3A = arith.select %eq3A_0, %jit3A_1, %jit3A : i32
    %rem3A = arith.remsi %arg0, %select_n3A : i32
    %ne3A = arith.constant 0 : i32
    %ne3A_2 = arith.cmpi ne, %rem3A, %ne3A : i32
    %lt3A = arith.constant 0 : i32
    %lt3A_3 = arith.cmpi slt, %rem3A, %lt3A : i32
    %lt3A_4 = arith.constant 0 : i32
    %lt3A_5 = arith.cmpi slt, %select_n3A, %lt3A_4 : i32
    %ne3A_6 = arith.xori %lt3A_3, %lt3A_5 : i1
    %and3A = arith.andi %ne3A_6, %ne3A_2 : i1
    %add3A = arith.addi %rem3A, %select_n3A : i32
    %select_n3A_7 = arith.select %and3A, %add3A, %rem3A : i32
    %c0_i32 = arith.constant 0 : i32
    %c0_i32_8 = arith.constant 0 : i32
    return %select_n3A_7, %c0_i32 : i32, i32
  }
  func.func @transform_3(%arg0: i32) -> (i32, i32, i32) {
    %c0_i32 = arith.constant 0 : i32
    %c0_i32_0 = arith.constant 0 : i32
    %c0_i32_1 = arith.constant 0 : i32
    return %arg0, %c0_i32, %c0_i32_0 : i32, i32, i32
  }
}

</mosaic_0001>

<sc_bundles>
// kernel: kernel.5.cloned.1.call-start
scs
__scs_entry_jumppad:
0x0: {  	(pc) =	sbr.rel $0x88, $3  }
0x1: {  	(tag) =	ssettag $0x0;
	lr =	simm.s32 $0x1  }
0x2: {  	[smem:$0x3F9F] =	sst lr;
	_ =	strace $0xD0000000  }
0x3: {  	_ = 	snop  }
0x4: {  	_ = 	snop  }
0x5: {  	_ = 	snop  }
0x6: {  	_ = 	snop  }
0x7: {  	_ = 	snop  }
__scs_overlays_trampoline_lowered:
0x8: {  	[smem:$0x3FAE] =	sst s0  }
0x9: {  	[smem:$0x3FAF] =	sst s1  }
0xa: {  	[smem:$0x3FB0] =	sst s2  }
0xb: {  	[smem:$0x3FB1] =	sst s3  }
0xc: {  	[smem:$0x3FB2] =	sst s4  }
0xd: {  	[smem:$0x3FB3] =	sst s5  }
0xe: {  	[smem:$0x3FB4] =	sst s6  }
0xf: {  	[smem:$0x3FB5] =	sst s7  }
0x10: {  	[smem:$0x3FB6] =	sst s8  }
0x11: {  	[smem:$0x3FB7] =	sst s9;
	s0 =	simm.s32 @!p0 $0x0  }
0x12: {  	s1 =	sld [smem:$0x3F9D];
	s0 =	simm.s32 @p0 $0x1  }
0x13: {  	[smem:$0x3FB8] =	sst s0;
	s0 =	simm.s32 @!p1 $0x0  }
0x14: {  	s2 =	sld [smem:$0x3F9C];
	s0 =	simm.s32 @p1 $0x1  }
0x15: {  	[smem:$0x3FB9] =	sst s0;
	s0 =	simm.s32 @!p2 $0x0  }
0x16: {  	s3 =	sld [smem:$0x3FDB];
	s0 =	simm.s32 @p2 $0x1  }
0x17: {  	s4 =	simm.s32 $0x1BF5;
	[smem:$0x3FBB] =	sst s0  }
0x18: {  	s0 =	sld [smem:$0x3F9E];
	_ =	swait.ge [sflag:s4], $0x0  }
0x19: {  	s7 =	sld [smem:$0x3F9F]  }
0x1a: {  	s8 =	sadd.s32 $0xFFFFE003, lr  }
0x1b: {  	s9 =	sadd.s32 $0xFFFFFEF7, lr;
	s5 =	simm.s32 $0xFFFFFFFF;
	p2 =	slt.u32 s8, $0xFFFFF086  }
0x1c: {  	p1 =	slt.u32 s9, $0xF7A;
	s5 =	simm.s32 @!p2 $0x0  }
0x1d: {  	s5 =	simm.s32 @p1 $0x1;
	p0 =	seq.s32 s7, s2  }
0x1e: {  	s7 =	smul.u32 @!p0 $0xF7A, s2;
	p2 =	seq.s32 @!p0 s5, $0x0  }
0x1f: {  	s9 =	smul.u32 $0xF7A, s1;
	s8 =	simm.s32 @!p0 $0x1BF5;
	p2 =	por !p2, p0  }
0x20: {  	[sflag:s8] =	ssyncset.s32 @!p0 $0xFFFFF086;
	s6 =	sadd.s32 @!p0 s3, s7;
	s7 =	simm.s32 @!p0 $0x108  }
0x21: {  	s3 =	sadd.s32 s3, s9;
	s6 =	sadd.s32 @!p0 $0x88, s6;
	s7 =	simm.s32 @p2 $0x1082  }
0x22: {  	[simem:s7], [sflag:s8] =	dma.local @!p0 [hbm:s6], $0xF7A  }
0x23: {  	s9 =	sor.u32 $0xD0000000, s2;
	s6 =	simm.s32 $0x108;
	_ =	swait.ge @!p0 [sflag:s8], $0x0  }
0x24: {  	s3 =	sadd.s32 $0x88, s3;
	s6 =	simm.s32 @!p1 $0x1082;
	[sflag:s4] =	ssyncset.s32 $0xFFFFF086  }
0x25: {  	[simem:s6], [sflag:s4] =	dma.local [hbm:s3], $0xF7A  }
0x26: {  	[smem:$0x3F9F] =	sst s1;
	(tag) =	ssettag s2;
	_ =	strace s9  }
0x27: {  	s1 =	sld [smem:$0x3FAF]  }
0x28: {  	s2 =	sld [smem:$0x3FB0]  }
0x29: {  	s4 =	sld [smem:$0x3FB2]  }
0x2a: {  	p0 =	seq.s32 s5, $0x0;
	s5 =	sld [smem:$0x3FB3]  }
0x2b: {  	s6 =	sld [smem:$0x3FB4]  }
0x2c: {  	s7 =	sld [smem:$0x3FB5]  }
0x2d: {  	s3 =	simm.s32 $0x108;
	s8 =	sld [smem:$0x3FB6]  }
0x2e: {  	s3 =	simm.s32 @!p0 $0x1082;
	s9 =	sld [smem:$0x3FB7]  }
0x2f: {  	lr =	sadd.s32 s0, s3;
	s0 =	sld [smem:$0x3FAE]  }
0x30: {  	s3 =	sld [smem:$0x3FB1]  }
0x31: {  	[smem:$0x3FBA] =	sst s10  }
0x32: {  	s10 =	sld [smem:$0x3FB8];
	_ =	sdelay $0x3  }
0x33: {  	p0 =	seq.s32 s10, $0x1;
	s10 =	sld [smem:$0x3FBA];
	_ =	sdelay $0x3  }
0x34: {  	[smem:$0x3FBA] =	sst s10  }
0x35: {  	s10 =	sld [smem:$0x3FB9];
	_ =	sdelay $0x3  }
0x36: {  	p1 =	seq.s32 s10, $0x1;
	s10 =	sld [smem:$0x3FBA];
	_ =	sdelay $0x3  }
0x37: {  	[smem:$0x3FBA] =	sst s10  }
0x38: {  	s10 =	sld [smem:$0x3FBB]  }
0x39: {  	_ = 	snop;
	(pc) =	sbr.ind lr, $3  }
0x3a: {  	_ = 	snop  }
0x3b: {  	_ = 	snop  }
0x3c: {  	p2 =	seq.s32 s10, $0x1;
	s10 =	sld [smem:$0x3FBA]  }
0x3d: {  	_ =	shalt  }
0x3e: {  	_ =	shalt  }
0x3f: {  	_ =	shalt  }
0x40: {  	_ =	shalt  }
0x41: {  	_ =	shalt  }
0x42: {  	_ =	shalt  }
0x43: {  	_ =	shalt  }
0x44: {  	_ =	shalt  }
0x45: {  	_ =	shalt  }
0x46: {  	_ =	shalt  }
0x47: {  	_ =	shalt  }
0x48: {  	_ =	shalt  }
0x49: {  	_ =	shalt  }
0x4a: {  	_ =	shalt  }
0x4b: {  	_ =	shalt  }
0x4c: {  	_ =	shalt  }
0x4d: {  	_ =	shalt  }
0x4e: {  	_ =	shalt  }
0x4f: {  	_ =	shalt  }
0x50: {  	_ =	shalt  }
0x51: {  	_ =	shalt  }
0x52: {  	_ =	shalt  }
0x53: {  	_ =	shalt  }
0x54: {  	_ =	shalt  }
0x55: {  	_ =	shalt  }
0x56: {  	_ =	shalt  }
0x57: {  	_ =	shalt  }
0x58: {  	_ =	shalt  }
0x59: {  	_ =	shalt  }
0x5a: {  	_ =	shalt  }
0x5b: {  	_ =	shalt  }
0x5c: {  	_ =	shalt  }
0x5d: {  	_ =	shalt  }
0x5e: {  	_ =	shalt  }
0x5f: {  	_ =	shalt  }
0x60: {  	_ =	shalt  }
0x61: {  	_ =	shalt  }
0x62: {  	_ =	shalt  }
0x63: {  	_ =	shalt  }
0x64: {  	_ =	shalt  }
0x65: {  	_ =	shalt  }
0x66: {  	_ =	shalt  }
0x67: {  	_ =	shalt  }
0x68: {  	_ =	shalt  }
0x69: {  	_ =	shalt  }
0x6a: {  	_ =	shalt  }
0x6b: {  	_ =	shalt  }
0x6c: {  	_ =	shalt  }
0x6d: {  	_ =	shalt  }
0x6e: {  	_ =	shalt  }
0x6f: {  	_ =	shalt  }
0x70: {  	_ =	shalt  }
0x71: {  	_ =	shalt  }
0x72: {  	_ =	shalt  }
0x73: {  	_ =	shalt  }
0x74: {  	_ =	shalt  }
0x75: {  	_ =	shalt  }
0x76: {  	_ =	shalt  }
0x77: {  	_ =	shalt  }
0x78: {  	_ =	shalt  }
0x79: {  	_ =	shalt  }
0x7a: {  	_ =	shalt  }
0x7b: {  	_ =	shalt  }
0x7c: {  	_ =	shalt  }
0x7d: {  	_ =	shalt  }
0x7e: {  	_ =	shalt  }
0x7f: {  	_ =	shalt  }
0x80: {  	_ =	shalt  }
0x81: {  	_ =	shalt  }
0x82: {  	_ =	shalt  }
0x83: {  	_ =	shalt  }
0x84: {  	_ =	shalt  }
0x85: {  	_ =	shalt  }
0x86: {  	_ =	shalt  }
0x87: {  	_ =	shalt  }
.Lfunc_end0:
.L_simem_size_0:
called_computation_lowered:
.L_overlay_start_0:
0x88: {  	s2 =	sld [smem:$0x3FD9]  }
0x89: {  	s3 =	sld [smem:$0x3FFE];
	_ =	sdelay $0x1  }
0x8a: {  	s1 =	srdreg.scid  }
0x8b: {  	s0 =	sand.u32 $0x1, s1  }
0x8c: {  	s17 =	sshll.u32 s0, $0xA;
	s2 =	sadd.s32 s3, s2  }
0x8d: {  	s2 =	sadd.s32 s2, s17  }
0x8e: {  	[smem:$0x3FC6] =	sst s2  }
0x8f: {  	_ = 	snop  }
0x90: {  	s2 =	sld [smem:$0x3FD0];
	(tm) =	ssettm $0x1  }
0x91: {  	s18 =	sld [smem:$0x3FFB];
	_ =	sdelay $0x3  }
0x92: {  	_ =	strace s18  }
0x93: {  	s3 =	sld [smem:$0x3FFC];
	_ =	sdelay $0x3  }
0x94: {  	_ =	strace s3  }
0x95: {  	s3 =	sld [smem:$0x3FFD];
	_ =	sdelay $0x3  }
0x96: {  	_ =	strace s3  }
0x97: {  	_ =	strace $0x8FFFFFFF  }
0x98: {  	s19 =	sld [smem:$0x3FDB];
	_ =	sdelay $0x1  }
0x99: {  	s4 =	simm.s32 $_scs_section_size  }
0x9a: {  	s5 =	simm.s32 $_size__tile_overlayer_lowered;
	s6 =	simm.s32 $_tile_overlayer_lowered  }
0x9b: {  	s22 =	simm.s32 $0x1BFF;
	s21 =	sshll.u32 s6, $0x1;
	s3 =	sadd.s32 s4, s19  }
0x9c: {  	s7 =	simm.s32 $0x0;
	s20 =	sshll.u32 s5, $0x1;
	s5 =	sadd.s32 s21, s3  }
0x9d: {  	[timem:s7], [sflag:s22] =	dma.local [hbm:s5], s20  }
0x9e: {  	_ =	swait.ge [sflag:s22], s20  }
0x9f: {  	s4 =	ssub.s32 $0x0, s20;
	[sflag:s22] =	ssyncset.done $0x0  }
0xa0: {  	[sflag:s22] =	ssyncadd.s32 s4;
	_ =	sdelay $0x1  }
0xa1: {  	s23 =	simm.s32 $0x1B8B  }
0xa2: {  	_ =	swait.ge [sflag:s23], $0x1  }
0xa3: {  	[sflag:s23] =	ssyncset.done $0x0  }
0xa4: {  	s25 =	simm.s32 $0x1B8E;
	s24 =	sld [smem:$0x3FFE];
	[sflag:s23] =	ssyncadd.s32 $0xFFFFFFFF  }
0xa5: {  	s26 =	simm.s32 $execute0_lowered;
	[smem:$0x3FD2] =	sst s25  }
0xa6: {  	s5 =	sshll.u32 s26, $0x1;
	_ =	strace $0x80000046;
	[dreg:$0x1] =	wrdreg $0xFFFFFFFF  }
0xa7: {  	s28 =	simm.s32 $_size_execute0_lowered;
	s3 =	sadd.s32 s3, s5;
	[dreg:$0x0] =	wrdreg $0x0  }
0xa8: {  	s5 =	sshll.u32 s28, $0x1;
	[dreg:$0x2] =	wrdreg s3  }
0xa9: {  	[dreg:$0x3] =	wrdreg s5  }
0xaa: {  	[dreg:$0x4] =	wrdreg $0xC0  }
0xab: {  	_ =	task [dreg:s7], $0x5FFFF  }
0xac: {  	[dreg:$0x1] =	wrdreg $0xFFFFFFFF  }
0xad: {  	[dreg:$0x0] =	wrdreg $0x60  }
0xae: {  	[dreg:$0x2] =	wrdreg s2  }
0xaf: {  	[dreg:$0x3] =	wrdreg s24  }
0xb0: {  	[dreg:$0x4] =	wrdreg $0x9  }
0xb1: {  	_ =	task.clear_ibuf [dreg:s7], $0x5FFFF;
	_ =	strace $0x90000046  }
0xb2: {  	s29 =	simm.s32 $0x9;
	_ =	strace $0x80000048  }
0xb3: {  	_ =	swait.ge [sflag:s29], $0x1  }
0xb4: {  	[sflag:s29] =	ssyncadd.s32 $0xFFFFFFFF  }
0xb5: {  	_ =	strace $0x90000048  }
0xb6: {  	_ =	sfence  }
0xb7: {  	s30 =	sld [smem:$0x0];
	_ =	sdelay $0x2  }
0xb8: {  	s31 =	sshll.u32 s1, $0xD;
	s1 =	sshrl.u32 s1, $0x2  }
0xb9: {  	s3 =	sand.u32 $0x4000, s31;
	s1 =	sadd.s32 s1, s30  }
0xba: {  	s0 =	sor.u32 s3, s0;
	s1 =	sshll.u32 s1, $0x11  }
0xbb: {  	s0 =	sor.u32 s1, s0  }
0xbc: {  	s0 =	sadd.s32 $0x8F2B, s0  }
0xbd: {  	[sflag:s0] =	ssyncadd.remote.s32 $0x1  }
0xbe: {  	_ =	sfence.sel $0xFFFF  }
0xbf: {  	[dreg:$0x0] =	wrdreg $0xFFFFFFFF;
	(pc) =	sbr.abs _section_cstart, $3  }
0xc0: {  	[dreg:$0x1] =	wrdreg $0xFFFFFFFF  }
0xc1: {  	_ =	task.clear_ibuf [dreg:s7], $0x2FFFF;
	_ =	strace $0x9FFFFFFF  }
0xc2: {  	(tm) =	ssettm $0x7FFFFFFF  }
0xc3: {  	_ =	shalt  }
tec
execute0_lowered:
.L_overlay_start_1:
0x0: {  	(tag) =	ssettag $0x1  }
0x1: {  	s2 =	rddreg [dreg:$0x0]  }
0x2: {  	s4 =	rddreg [dreg:$0x1];
	s3 =	srdreg.scid  }
0x3: {  	s0 =	rddreg [dreg:$0x2];
	s1 =	stileid.u32  }
0x4: {  	s9 =	simm.s32 $0x18280;
	s10 =	simm.s32 $0xB;
	s11 =	simm.s32 $0xC  }
0x5: {  	s12 =	simm.s32 $0x7;
	s13 =	simm.s32 $0x8;
	s14 =	simm.s32 $0x9  }
0x6: {  	s15 =	simm.s32 $0xA;
	s16 =	simm.s32 $0x0;
	s5 =	sand.u32 $0x1, s3  }
0x7: {  	s3 =	simm.s32 $0x0;
	s6 =	sshll.u32 s1, $0xA;
	s30 =	sshll.u32 s1, $0x12  }
0x8: {  	s7 =	sshll.u32 s5, $0x9;
	[smem:$0x7FF] =	sst s3;
	s8 =	ssub.s32 $0x2, s5  }
.Ltmp0:
0x9: {  	s5 =	sshll.u32 s5, $0x11;
	s6 =	sor.u32 s7, s6;
	(pc) =	sbr.rel .LBB2_1-.Ltmp0, $4  }
0xa: {  	_ =	strace $0x80000047;
	s7 =	sadd.s32 s30, s4;
	s31 =	sshrl.u32 s8, $0x1  }
0xb: {  	s6 =	sshrl.u32 s6, $0x3;
	s8 =	ssub.s32 s8, s31;
	s7 =	sadd.s32 s5, s7  }
0xc: {  	s5 =	sadd.s32 $0x200000, s2;
	s6 =	sadd.s32 s6, s4;
	s7 =	sadd.s32 $0x1000, s7  }
0xd: {  	s4 =	sadd.s32 $0x800, s6;
	s6 =	smax.u32 s8, $0x1;
	s8 =	simm.s32 $0xD  }
.LBB2_12:
0xe: {  	_ =	swait.ge [sflag:s10], $0x4000  }
0xf: {  	[sflag:s10] =	ssyncset.done $0x0  }
0x10: {  	[sflag:s10] =	ssyncadd.s32 $0xFFFFC000  }
0x11: {  	_ =	swait.ge [sflag:s11], $0x4000  }
0x12: {  	[sflag:s11] =	ssyncset.done $0x0  }
0x13: {  	[sflag:s11] =	ssyncadd.s32 $0xFFFFC000  }
0x14: {  	_ =	swait.ge [sflag:s12], $0x4000  }
0x15: {  	[sflag:s12] =	ssyncset.done $0x0  }
0x16: {  	[sflag:s12] =	ssyncadd.s32 $0xFFFFC000  }
0x17: {  	_ =	swait.ge [sflag:s13], $0x4000  }
0x18: {  	[sflag:s13] =	ssyncset.done $0x0  }
0x19: {  	s16 =	sadd.s32 $0x1, s16;
	[sflag:s13] =	ssyncadd.s32 $0xFFFFC000  }
0x1a: {  	p0 =	sne.s32 s16, s6;
	_ =	swait.ge [sflag:s14], $0x4000  }
.Ltmp1:
0x1b: {  	[sflag:s14] =	ssyncset.done $0x0;
	(pc) =	sbr.rel @!p0 .LBB2_13-.Ltmp1, $4  }
0x1c: {  	[sflag:s14] =	ssyncadd.s32 $0xFFFFC000  }
0x1d: {  	_ =	swait.ge [sflag:s15], $0x4000  }
0x1e: {  	[sflag:s15] =	ssyncset.done $0x0  }
0x1f: {  	[sflag:s15] =	ssyncadd.s32 $0xFFFFC000  }
.LBB2_1:
0x20: {  	[tilespmem:s3], [sflag:$0xD] =	stream.linear.gather [hbm4b:s4+s3], $0x200, $0x38;
	[tilespmem:$0x1C280] =	vst v63  }
0x21: {  	_ =	swait.ge [sflag:s8], $0x200  }
0x22: {  	[sflag:s8] =	ssyncset.done $0x0  }
0x23: {  	[sflag:s8] =	ssyncadd.s32 $0xFFFFFE00  }
0x24: {  	[tilespmem:s9], [sflag:$0xD] =	stream.linear.gather [hbm4b:s5+s3], $0x4000, $0x38;
	[tilespmem:$0x1C280] =	vst v63  }
0x25: {  	_ =	swait.ge [sflag:s8], $0x4000  }
0x26: {  	[sflag:s8] =	ssyncset.done $0x0  }
0x27: {  	[sflag:s8] =	ssyncadd.s32 $0xFFFFC000  }
0x28: {  	v0 =	vld [tilespmem:$0x0];
	_ =	sdelay $0x4  }
0x29: {  	(v2sf) =	vpush v0, $0x0;
	_ =	sdelay $0xe  }
0x2a: {  	s17 =	spop (v2sf)  }
0x2b: {  	p0 =	seq.s32 s17, $0x2000  }
0x2c: {  	s17 =	simm.s32 @!p0 $0x8;
	s18 =	simm.s32 @!p0 $0x0;
	s19 =	simm.s32 @!p0 $0x280  }
0x2d: {  	[tilespmem:s19], [sflag:$0x1] =	stream.indirect.gather @!p0 [hbm4b:s2+s17], $0x800, s18, s17, $0xb8;
	[tilespmem:$0x1C280] =	vst v63  }
0x2e: {  	v62 =	vld [tilespmem:$0x8];
	_ =	sdelay $0x4  }
0x2f: {  	(v2sf) =	vpush v62, $0x0;
	_ =	sdelay $0xe  }
0x30: {  	s30 =	spop (v2sf)  }
0x31: {  	p0 =	seq.s32 s30, $0x2000  }
0x32: {  	s17 =	simm.s32 @!p0 $0x8;
	s18 =	simm.s32 @!p0 $0x4280  }
0x33: {  	[tilespmem:s18], [sflag:$0x2] =	stream.indirect.gather @!p0 [hbm4b:s2+s17], $0x800, s17, s17, $0xb8;
	[tilespmem:$0x1C280] =	vst v63  }
0x34: {  	v63 =	vld [tilespmem:$0x10];
	_ =	sdelay $0x4  }
0x35: {  	(v2sf) =	vpush v63, $0x0;
	_ =	sdelay $0xe  }
0x36: {  	s31 =	spop (v2sf)  }
0x37: {  	p0 =	seq.s32 s31, $0x2000  }
0x38: {  	s17 =	simm.s32 @!p0 $0x8;
	s18 =	simm.s32 @!p0 $0x10;
	s19 =	simm.s32 @!p0 $0x8280  }
0x39: {  	[tilespmem:s19], [sflag:$0x3] =	stream.indirect.gather @!p0 [hbm4b:s2+s17], $0x800, s18, s17, $0xb8;
	[tilespmem:$0x1C280] =	vst v63  }
0x3a: {  	s17 =	simm.s32 $0x0;
	s18 =	smov.u32 s7;
	s19 =	simm.s32 $0x0  }
.LBB2_2:
0x3b: {  	s20 =	sshra.s32 s17, $0x2  }
0x3c: {  	v0 =	vld [tilespmem:s20+$0x0];
	_ =	sdelay $0x4  }
0x3d: {  	(v2sf) =	vpush v0, $0x0;
	_ =	sdelay $0xe  }
0x3e: {  	s21 =	spop (v2sf)  }
0x3f: {  	p0 =	seq.s32 s21, $0x2000  }
0x40: {  	s21 =	simm.s32 @!p0 $0x1  }
0x41: {  	_ =	swait.ge @!p0 [sflag:s21], $0x4000  }
0x42: {  	s22 =	simm.s32 @!p0 $0x280;
	[sflag:s21] =	ssyncset.done @!p0 $0x0  }
0x43: {  	s22 =	simm.s32 @p0 $0x18280;
	[sflag:s21] =	ssyncadd.s32 @!p0 $0xFFFFC000;
	p0 =	seq.s32 s17, $0x0  }
0x44: {  	[hbm4b:s18+s3] =	stream.linear.scatter [tilespmem:s22], [sflag:$0x7], $0x4000, $0x38;
	[tilespmem:$0x1C280] =	vst v63  }
0x45: {  	s21 =	simm.s32 @!p0 $0xA  }
0x46: {  	_ =	swait.ge @!p0 [sflag:s21], $0x4000  }
0x47: {  	[sflag:s21] =	ssyncset.done @!p0 $0x0  }
0x48: {  	[sflag:s21] =	ssyncadd.s32 @!p0 $0xFFFFC000  }
0x49: {  	v62 =	vld [tilespmem:s20+$0x18];
	_ =	sdelay $0x4  }
0x4a: {  	(v2sf) =	vpush v62, $0x0;
	_ =	sdelay $0xe  }
0x4b: {  	s29 =	spop (v2sf)  }
0x4c: {  	p0 =	seq.s32 s29, $0x2000  }
0x4d: {  	s21 =	sadd.s32 $0x18, s20;
	s22 =	simm.s32 @!p0 $0x8;
	s23 =	simm.s32 @!p0 $0xC280  }
0x4e: {  	[tilespmem:s23], [sflag:$0x4] =	stream.indirect.gather @!p0 [hbm4b:s2+s22], $0x800, s21, s22, $0xb8;
	[tilespmem:$0x1C280] =	vst v63  }
0x4f: {  	v63 =	vld [tilespmem:s20+$0x8];
	_ =	sdelay $0x4  }
0x50: {  	(v2sf) =	vpush v63, $0x0;
	_ =	sdelay $0xe  }
0x51: {  	s30 =	spop (v2sf)  }
0x52: {  	p0 =	seq.s32 s30, $0x2000  }
0x53: {  	s21 =	simm.s32 @!p0 $0x2  }
0x54: {  	_ =	swait.ge @!p0 [sflag:s21], $0x4000  }
0x55: {  	s22 =	simm.s32 @!p0 $0x4280;
	[sflag:s21] =	ssyncset.done @!p0 $0x0  }
0x56: {  	s22 =	simm.s32 @p0 $0x18280;
	[sflag:s21] =	ssyncadd.s32 @!p0 $0xFFFFC000;
	p0 =	seq.s32 s19, $0x0  }
.Ltmp2:
0x57: {  	_ = 	snop;
	(pc) =	sbr.rel @p0 .LBB2_5-.Ltmp2, $3  }
0x58: {  	_ =	sdelay $0x1  }
0x59: {  	s31 =	sadd.s32 $0x800, s18  }
0x5a: {  	[hbm4b:s31+s3] =	stream.linear.scatter [tilespmem:s22], [sflag:$0x8], $0x4000, $0x38;
	[tilespmem:$0x1C280] =	vst v63  }
0x5b: {  	p1 =	seq.s32 s19, $0xA  }
.Ltmp3:
0x5c: {  	_ = 	snop;
	(pc) =	sbr.rel @p1 .LBB2_6-.Ltmp3, $1  }
0x5d: {  	_ =	sdelay $0x3  }
0x5e: {  	_ =	swait.ge [sflag:s10], $0x4000  }
0x5f: {  	[sflag:s10] =	ssyncset.done $0x0  }
0x60: {  	[sflag:s10] =	ssyncadd.s32 $0xFFFFC000  }
.LBB2_5:
0x61: {  	v0 =	vld [tilespmem:s20+$0x20];
	_ =	sdelay $0x4  }
0x62: {  	(v2sf) =	vpush v0, $0x0;
	_ =	sdelay $0xe  }
0x63: {  	s21 =	spop (v2sf)  }
0x64: {  	p1 =	seq.s32 s21, $0x2000  }
0x65: {  	s21 =	sadd.s32 $0x20, s20;
	s22 =	simm.s32 @!p1 $0x8;
	s23 =	simm.s32 @!p1 $0x10280  }
0x66: {  	[tilespmem:s23], [sflag:$0x5] =	stream.indirect.gather @!p1 [hbm4b:s2+s22], $0x800, s21, s22, $0xb8;
	[tilespmem:$0x1C280] =	vst v63  }
.LBB2_6:
0x67: {  	v0 =	vld [tilespmem:s20+$0x10];
	_ =	sdelay $0x4  }
0x68: {  	(v2sf) =	vpush v0, $0x0;
	_ =	sdelay $0xe  }
0x69: {  	s21 =	spop (v2sf)  }
0x6a: {  	p1 =	seq.s32 s21, $0x2000  }
.Ltmp4:
0x6b: {  	s21 =	simm.s32 @!p1 $0x3;
	(pc) =	sbr.rel @p0 .LBB2_9-.Ltmp4, $4  }
0x6c: {  	_ =	swait.ge @!p1 [sflag:s21], $0x4000  }
0x6d: {  	s22 =	simm.s32 @!p1 $0x8280;
	[sflag:s21] =	ssyncset.done @!p1 $0x0  }
0x6e: {  	s31 =	sadd.s32 $0x1000, s18;
	s22 =	simm.s32 @p1 $0x18280;
	[sflag:s21] =	ssyncadd.s32 @!p1 $0xFFFFC000  }
0x6f: {  	[hbm4b:s31+s3] =	stream.linear.scatter [tilespmem:s22], [sflag:$0x9], $0x4000, $0x38;
	[tilespmem:$0x1C280] =	vst v63  }
0x70: {  	p0 =	seq.s32 s19, $0xA  }
.Ltmp5:
0x71: {  	_ = 	snop;
	(pc) =	sbr.rel @p0 .LBB2_10-.Ltmp5, $1  }
0x72: {  	_ =	sdelay $0x3  }
0x73: {  	_ =	swait.ge [sflag:s11], $0x4000  }
0x74: {  	[sflag:s11] =	ssyncset.done $0x0  }
0x75: {  	[sflag:s11] =	ssyncadd.s32 $0xFFFFC000  }
.LBB2_9:
0x76: {  	v0 =	vld [tilespmem:s20+$0x28];
	_ =	sdelay $0x4  }
0x77: {  	(v2sf) =	vpush v0, $0x0;
	_ =	sdelay $0xe  }
0x78: {  	s21 =	spop (v2sf)  }
0x79: {  	p0 =	seq.s32 s21, $0x2000  }
0x7a: {  	s21 =	sadd.s32 $0x28, s20;
	s22 =	simm.s32 @!p0 $0x8;
	s23 =	simm.s32 @!p0 $0x14280  }
0x7b: {  	[tilespmem:s23], [sflag:$0x6] =	stream.indirect.gather @!p0 [hbm4b:s2+s22], $0x800, s21, s22, $0xb8;
	[tilespmem:$0x1C280] =	vst v63  }
.LBB2_10:
0x7c: {  	v0 =	vld [tilespmem:s20+$0x18];
	_ =	sdelay $0x4  }
0x7d: {  	(v2sf) =	vpush v0, $0x0;
	_ =	sdelay $0xe  }
0x7e: {  	s21 =	spop (v2sf)  }
0x7f: {  	p0 =	seq.s32 s21, $0x2000  }
0x80: {  	s21 =	simm.s32 @!p0 $0x4  }
0x81: {  	_ =	swait.ge @!p0 [sflag:s21], $0x4000  }
0x82: {  	s22 =	simm.s32 @!p0 $0xC280;
	[sflag:s21] =	ssyncset.done @!p0 $0x0  }
0x83: {  	s22 =	simm.s32 @p0 $0x18280;
	[sflag:s21] =	ssyncadd.s32 @!p0 $0xFFFFC000;
	p0 =	seq.s32 s17, $0x780  }
.Ltmp6:
0x84: {  	_ = 	snop;
	(pc) =	sbr.rel @p0 .LBB2_12-.Ltmp6, $3  }
0x85: {  	_ =	sdelay $0x1  }
0x86: {  	s31 =	sadd.s32 $0x1800, s18  }
0x87: {  	[hbm4b:s31+s3] =	stream.linear.scatter [tilespmem:s22], [sflag:$0xA], $0x4000, $0x38;
	[tilespmem:$0x1C280] =	vst v63  }
0x88: {  	_ =	swait.ge [sflag:s12], $0x4000  }
0x89: {  	[sflag:s12] =	ssyncset.done $0x0  }
0x8a: {  	[sflag:s12] =	ssyncadd.s32 $0xFFFFC000  }
0x8b: {  	v0 =	vld [tilespmem:s20+$0x30];
	_ =	sdelay $0x4  }
0x8c: {  	(v2sf) =	vpush v0, $0x0;
	_ =	sdelay $0xe  }
0x8d: {  	s21 =	spop (v2sf)  }
0x8e: {  	p0 =	seq.s32 s21, $0x2000  }
0x8f: {  	s21 =	sadd.s32 $0x30, s20;
	s22 =	simm.s32 @!p0 $0x8;
	s23 =	simm.s32 @!p0 $0x280  }
0x90: {  	[tilespmem:s23], [sflag:$0x1] =	stream.indirect.gather @!p0 [hbm4b:s2+s22], $0x800, s21, s22, $0xb8;
	[tilespmem:$0x1C280] =	vst v63  }
0x91: {  	v60 =	vld [tilespmem:s20+$0x20];
	_ =	sdelay $0x4  }
0x92: {  	(v2sf) =	vpush v60, $0x0;
	_ =	sdelay $0xe  }
0x93: {  	s25 =	spop (v2sf)  }
0x94: {  	p0 =	seq.s32 s25, $0x2000  }
0x95: {  	s21 =	simm.s32 @!p0 $0x5  }
0x96: {  	_ =	swait.ge @!p0 [sflag:s21], $0x4000  }
0x97: {  	s22 =	simm.s32 @!p0 $0x10280;
	[sflag:s21] =	ssyncset.done @!p0 $0x0  }
0x98: {  	s26 =	sadd.s32 $0x2000, s18;
	s22 =	simm.s32 @p0 $0x18280;
	[sflag:s21] =	ssyncadd.s32 @!p0 $0xFFFFC000  }
0x99: {  	[hbm4b:s26+s3] =	stream.linear.scatter [tilespmem:s22], [sflag:$0xB], $0x4000, $0x38;
	[tilespmem:$0x1C280] =	vst v63  }
0x9a: {  	_ =	swait.ge [sflag:s13], $0x4000  }
0x9b: {  	[sflag:s13] =	ssyncset.done $0x0  }
0x9c: {  	[sflag:s13] =	ssyncadd.s32 $0xFFFFC000  }
0x9d: {  	v61 =	vld [tilespmem:s20+$0x38];
	_ =	sdelay $0x4  }
0x9e: {  	(v2sf) =	vpush v61, $0x0;
	_ =	sdelay $0xe  }
0x9f: {  	s28 =	spop (v2sf)  }
0xa0: {  	p0 =	seq.s32 s28, $0x2000  }
0xa1: {  	s21 =	sadd.s32 $0x38, s20;
	s22 =	simm.s32 @!p0 $0x8;
	s23 =	simm.s32 @!p0 $0x4280  }
0xa2: {  	[tilespmem:s23], [sflag:$0x2] =	stream.indirect.gather @!p0 [hbm4b:s2+s22], $0x800, s21, s22, $0xb8;
	[tilespmem:$0x1C280] =	vst v63  }
0xa3: {  	v62 =	vld [tilespmem:s20+$0x28];
	_ =	sdelay $0x4  }
0xa4: {  	(v2sf) =	vpush v62, $0x0;
	_ =	sdelay $0xe  }
0xa5: {  	s29 =	spop (v2sf)  }
0xa6: {  	p0 =	seq.s32 s29, $0x2000  }
0xa7: {  	s21 =	simm.s32 @!p0 $0x6  }
0xa8: {  	_ =	swait.ge @!p0 [sflag:s21], $0x4000  }
0xa9: {  	s22 =	simm.s32 @!p0 $0x14280;
	[sflag:s21] =	ssyncset.done @!p0 $0x0  }
0xaa: {  	s30 =	sadd.s32 $0x2800, s18;
	s22 =	simm.s32 @p0 $0x18280;
	[sflag:s21] =	ssyncadd.s32 @!p0 $0xFFFFC000  }
0xab: {  	[hbm4b:s30+s3] =	stream.linear.scatter [tilespmem:s22], [sflag:$0xC], $0x4000, $0x38;
	[tilespmem:$0x1C280] =	vst v63  }
0xac: {  	_ =	swait.ge [sflag:s14], $0x4000  }
0xad: {  	[sflag:s14] =	ssyncset.done $0x0  }
0xae: {  	[sflag:s14] =	ssyncadd.s32 $0xFFFFC000  }
0xaf: {  	v63 =	vld [tilespmem:s20+$0x40];
	_ =	sdelay $0x4  }
0xb0: {  	(v2sf) =	vpush v63, $0x0;
	_ =	sdelay $0xd  }
.Ltmp7:
0xb1: {  	_ = 	snop;
	(pc) =	sbr.rel .LBB2_2-.Ltmp7, $4  }
0xb2: {  	s19 =	sadd.s32 $0x1, s19;
	s31 =	spop (v2sf)  }
0xb3: {  	s18 =	sadd.s32 $0x3000, s18;
	s17 =	sadd.s32 $0xC0, s17;
	p0 =	seq.s32 s31, $0x2000  }
0xb4: {  	s20 =	sadd.s32 $0x40, s20;
	s21 =	simm.s32 @!p0 $0x8;
	s22 =	simm.s32 @!p0 $0x8280  }
0xb5: {  	[tilespmem:s22], [sflag:$0x3] =	stream.indirect.gather @!p0 [hbm4b:s2+s21], $0x800, s20, s21, $0xb8;
	[tilespmem:$0x1C280] =	vst v63  }
.LBB2_13:
0xb6: {  	_ =	sfence.sel $0x180000  }
0xb7: {  	[bflag:$0x0] =	sbarrier.arrive $0xFFFF  }
0xb8: {  	p0 =	sne.s32 s1, $0x0;
	_ =	strace $0x90000047  }
0xb9: {  	s0 =	sadd.s32 @!p0 $0x100000, s0;
	[bflag:$0x2] =	sbarrier.arrive $0xFFFF  }
0xba: {  	[sflag:s0] =	ssyncadd.tile.s32 @!p0 $0x1;
	_ =	shalt  }
.Lfunc_end2:
_tile_overlayer_lowered:
.L_overlay_start_2:
0xbb: {  	(tag) =	ssettag $0x2  }
0xbc: {  	s0 =	rddreg [dreg:$0x0];
	s2 =	stileid.u32  }
0xbd: {  	s1 =	rddreg [dreg:$0x1];
	p0 =	sne.s32 s2, $0x0  }
0xbe: {  	s3 =	rddreg [dreg:$0x2];
	[bflag:$0x3] =	sbarrier.arrive $0xFFFF;
	s2 =	simm.s32 @!p0 $0x1C0D  }
0xbf: {  	[timem:s3], [sflag:s2] =	dma.local @!p0 [hbm:s0], s1  }
0xc0: {  	s0 =	simm.s32 @!p0 $0xD  }
0xc1: {  	_ =	swait.ge @!p0 [sflag:s0], s1  }
0xc2: {  	s1 =	ssub.s32 @!p0 $0x0, s1;
	[sflag:s0] =	ssyncset.done @!p0 $0x0  }
0xc3: {  	[sflag:s0] =	ssyncadd.s32 @!p0 s1  }
0xc4: {  	[bflag:$0x3] =	sbarrier.arrive $0xFFFF  }
0xc5: {  	_ =	shalt  }

</sc_bundles>
